<compile_context>
chip_gen: v7x
topology: tpu7x:2x2x1
jax: 0.10.2.dev20260603
libtpu: 0.0.44.dev20260713+nightly
codegen_flags: <defaults>
</compile_context>

<pallas_src>
import functools

import jax
import jax.numpy as jnp
from jax import lax
from jax.experimental import pallas as pl
from jax.experimental.pallas import tpu as pltpu
from jax.experimental.pallas import tpu_sc as plsc

_BLK = 2048


def _tables_body(x_ref, wn_ref, we1_ref, we2_ref, scal_ref,
                 s1_ref, s2_ref, alpha_ref):
    x = x_ref[...]
    b_n = scal_ref[0, 0]
    b_e = scal_ref[0, 1]
    r8 = s1_ref.shape[0]
    z = jnp.sum(x * wn_ref[...], axis=1) + b_n
    alpha_ref[...] = jax.nn.sigmoid(z).reshape(r8, 128)
    s1_ref[...] = (jnp.sum(x * we1_ref[...], axis=1) + b_e).reshape(r8, 128)
    s2_ref[...] = jnp.sum(x * we2_ref[...], axis=1).reshape(r8, 128)


def _run_tables(x, W_n, b_n, W_e, b_e):
    n, d = x.shape
    grid = (n + _BLK - 1) // _BLK
    npad = grid * _BLK
    r8 = _BLK // 128
    scalars = jnp.stack([b_n.astype(jnp.float32),
                         b_e.astype(jnp.float32)]).reshape(1, 2)
    tab_spec = pl.BlockSpec((r8, 128), lambda i: (i, 0))
    s1, s2, alpha2d = pl.pallas_call(
        _tables_body,
        grid=(grid,),
        in_specs=[pl.BlockSpec((_BLK, d), lambda i: (i, 0)),
                  pl.BlockSpec((1, d), lambda i: (0, 0)),
                  pl.BlockSpec((1, d), lambda i: (0, 0)),
                  pl.BlockSpec((1, d), lambda i: (0, 0)),
                  pl.BlockSpec(memory_space=pltpu.SMEM)],
        out_specs=[tab_spec, tab_spec, tab_spec],
        out_shape=[jax.ShapeDtypeStruct((npad // 128, 128), jnp.float32),
                   jax.ShapeDtypeStruct((npad // 128, 128), jnp.float32),
                   jax.ShapeDtypeStruct((npad // 128, 128), jnp.float32)],
    )(x, W_n.reshape(1, d), W_e[:d].reshape(1, d), W_e[d:].reshape(1, d),
      scalars)
    return (s1.reshape(npad), s2.reshape(npad), alpha2d.reshape(npad)[:n])


def _concat_body(nd, eid_ref, ei_ref, out_ref):
    j = pl.program_id(0)

    @pl.when(j < nd)
    def _():
        out_ref[...] = eid_ref[...]

    @pl.when(j >= nd)
    def _():
        out_ref[...] = ei_ref[...]


def _run_concat(edge_index_dropped, edge_index_orig):
    e = edge_index_orig.shape[1]
    e_drop = edge_index_dropped.shape[1]
    e_tot = e + e_drop
    cb = e_drop // 2
    grid = e_tot // cb
    nd = e_drop // cb
    return pl.pallas_call(
        functools.partial(_concat_body, nd),
        grid=(grid,),
        in_specs=[pl.BlockSpec((2, cb), lambda j: (0, jnp.minimum(j, nd - 1))),
                  pl.BlockSpec((2, cb),
                               lambda j: (0, jnp.clip(j - nd, 0, e // cb - 1)))],
        out_specs=pl.BlockSpec((2, cb), lambda j: (0, j)),
        out_shape=jax.ShapeDtypeStruct((2, e_tot), jnp.int32),
    )(edge_index_dropped, edge_index_orig)


def _dense_body(x_ref, xnm_ref, wn_ref, pn_ref, scal_ref,
                xnode_ref, xedge_ref):
    x = x_ref[...]
    d = x.shape[1]
    b_n = scal_ref[0, 0]
    z = jnp.sum(x * wn_ref[...], axis=1, keepdims=True) + b_n
    alpha = jax.nn.sigmoid(z)
    xnode_ref[:, :d] = xnm_ref[...]
    xnode_ref[:, d:] = x + alpha * pn_ref[...]
    xedge_ref[:, :d] = x
    xedge_ref[:, d:] = x


def _run_dense(x, x_node_masked, W_n, b_n, p_n):
    n, d = x.shape
    grid = (n + _BLK - 1) // _BLK
    scalars = b_n.astype(jnp.float32).reshape(1, 1)
    row_spec = pl.BlockSpec((_BLK, d), lambda i: (i, 0))
    par_spec = pl.BlockSpec((1, d), lambda i: (0, 0))
    return pl.pallas_call(
        _dense_body,
        grid=(grid,),
        in_specs=[row_spec, row_spec, par_spec, par_spec,
                  pl.BlockSpec(memory_space=pltpu.SMEM)],
        out_specs=[pl.BlockSpec((_BLK, 2 * d), lambda i: (i, 0)),
                   pl.BlockSpec((_BLK, 2 * d), lambda i: (i, 0))],
        out_shape=[jax.ShapeDtypeStruct((n, 2 * d), jnp.float32),
                   jax.ShapeDtypeStruct((n, 2 * d), jnp.float32)],
    )(x, x_node_masked, W_n.reshape(1, d), p_n.reshape(1, d), scalars)


def _make_sc(npad, e, e_drop):
    info = plsc.get_sparse_core_info()
    nw = info.num_cores * info.num_subcores
    nc = info.num_cores
    tiles = e // 128
    tpw = tiles // nw
    xtra = tiles - tpw * nw
    pe_chunk = tpw * 128
    pc_x = pe_chunk + 128
    pd_chunk = e_drop // nw
    iters = pc_x // 16
    ones_n = ((pd_chunk + 15) // 16) * 16
    e_tot = e + e_drop
    mesh = plsc.VectorSubcoreMesh(core_axis_name="c", subcore_axis_name="s")

    @functools.partial(
        pl.kernel,
        mesh=mesh,
        compiler_params=pltpu.CompilerParams(needs_layout_passes=False),
        out_type=[jax.ShapeDtypeStruct((e,), jnp.float32),
                  jax.ShapeDtypeStruct((e_tot,), jnp.float32)],
        scratch_types=[pltpu.VMEM((npad,), jnp.float32),
                       pltpu.VMEM((npad,), jnp.float32),
                       pltpu.VMEM((2, pc_x), jnp.int32),
                       pltpu.VMEM((pc_x,), jnp.float32),
                       pltpu.VMEM((pc_x,), jnp.float32),
                       pltpu.VMEM((16,), jnp.float32),
                       pltpu.VMEM((ones_n,), jnp.float32)],
    )
    def sc_kernel(s1_hbm, s2_hbm, ei_hbm, pe_hbm,
                  beta_hbm, ew_hbm,
                  s1_v, s2_v, ei_v, beta_v, w_v, pe_v, ones_v):
        wid = lax.axis_index("s") * nc + lax.axis_index("c")
        be = wid * pe_chunk
        bd = wid * pd_chunk

        pltpu.sync_copy(s1_hbm, s1_v)
        pltpu.sync_copy(s2_hbm, s2_v)
        pltpu.sync_copy(ei_hbm.at[:, pl.ds(be, pe_chunk)],
                        ei_v.at[:, pl.ds(0, pe_chunk)])
        zero = jnp.zeros((16,), jnp.int32)
        for q in range(128 // 16):
            ei_v[0, pl.ds(pe_chunk + q * 16, 16)] = zero
            ei_v[1, pl.ds(pe_chunk + q * 16, 16)] = zero
        bx = nw * pe_chunk + wid * 128

        @pl.when(wid < xtra)
        def _():
            pltpu.sync_copy(ei_hbm.at[:, pl.ds(bx, 128)],
                            ei_v.at[:, pl.ds(pe_chunk, 128)])

        pltpu.sync_copy(pe_hbm, pe_v)
        p_e_vec = pe_v[...]

        @plsc.parallel_loop(0, iters, unroll=4)
        def _edge_loop(i):
            s = ei_v[0, pl.ds(i * 16, 16)]
            t = ei_v[1, pl.ds(i * 16, 16)]
            a = plsc.load_gather(s1_v, [s])
            b = plsc.load_gather(s2_v, [t])
            beta = 1.0 / (1.0 + jnp.exp(-(a + b)))
            beta_v[pl.ds(i * 16, 16)] = beta
            w_v[pl.ds(i * 16, 16)] = 1.0 + beta * p_e_vec

        @plsc.parallel_loop(0, ones_n // 16, unroll=4)
        def _ones_loop(j):
            ones_v[pl.ds(j * 16, 16)] = jnp.ones((16,), jnp.float32)

        pltpu.sync_copy(beta_v.at[pl.ds(0, pe_chunk)],
                        beta_hbm.at[pl.ds(be, pe_chunk)])
        pltpu.sync_copy(w_v.at[pl.ds(0, pe_chunk)],
                        ew_hbm.at[pl.ds(e_drop + be, pe_chunk)])
        pltpu.sync_copy(ones_v.at[pl.ds(0, pd_chunk)],
                        ew_hbm.at[pl.ds(bd, pd_chunk)])

        @pl.when(wid < xtra)
        def _():
            pltpu.sync_copy(beta_v.at[pl.ds(pe_chunk, 128)],
                            beta_hbm.at[pl.ds(bx, 128)])
            pltpu.sync_copy(w_v.at[pl.ds(pe_chunk, 128)],
                            ew_hbm.at[pl.ds(e_drop + bx, 128)])

    return sc_kernel


def kernel(x, x_node_masked, edge_index_orig, edge_index_dropped,
           p_n, W_n, b_n, p_e, W_e, b_e):
    n, d = x.shape
    e = edge_index_orig.shape[1]
    e_drop = edge_index_dropped.shape[1]

    s1, s2, alpha = _run_tables(x, W_n, b_n, W_e, b_e)

    pe_vec = jnp.broadcast_to(jnp.reshape(p_e.astype(jnp.float32), (1,)), (16,))
    sc = _make_sc(s1.shape[0], e, e_drop)
    beta, edge_weight_edge = sc(s1, s2, edge_index_orig, pe_vec)

    edge_index_edge = _run_concat(edge_index_dropped, edge_index_orig)
    x_node, x_edge = _run_dense(x, x_node_masked, W_n, b_n, p_n)

    return (x_node, x_edge, edge_weight_edge, alpha, beta, edge_index_edge)

# --- scband reference (transcript-rebuilt; emitter-appended) ---
"""Pipeline reference for scband-graph-selective-prompting-54906861912495 (READ-ONLY COPY).

The authoritative reference and input builder live on the scoring server;
editing this copy changes nothing except your own understanding.
"""

import jax, jax.numpy as jnp
import numpy as np

N = 10000
D = 128
E = 320000
E_DROP = 160000


def setup_inputs(seed: int = 0) -> dict:
    key = jax.random.key(seed)
    ks = jax.random.split(key, 10)
    x = jax.random.normal(ks[0], (N, D), dtype=jnp.float32)
    x_node_masked = jax.random.normal(ks[1], (N, D), dtype=jnp.float32)
    edge_index_orig = jax.random.randint(ks[2], (2, E), 0, N, dtype=jnp.int32)
    edge_index_dropped = jax.random.randint(ks[3], (2, E_DROP), 0, N, dtype=jnp.int32)
    # learned parameters (init scale 0.01 per PromptingConfig)
    p_n = jax.random.normal(ks[4], (D,), dtype=jnp.float32) * 0.01
    W_n = jax.random.normal(ks[5], (D,), dtype=jnp.float32) * 0.01
    b_n = jnp.zeros((), dtype=jnp.float32)
    p_e = jax.random.normal(ks[6], (), dtype=jnp.float32) * 0.01
    W_e = jax.random.normal(ks[7], (2 * D,), dtype=jnp.float32) * 0.01
    b_e = jnp.zeros((), dtype=jnp.float32)
    return {
        "x": x,
        "x_node_masked": x_node_masked,
        "edge_index_orig": edge_index_orig,
        "edge_index_dropped": edge_index_dropped,
        "p_n": p_n,
        "W_n": W_n,
        "b_n": b_n,
        "p_e": p_e,
        "W_e": W_e,
        "b_e": b_e,
    }


def reference(x, x_node_masked, edge_index_orig, edge_index_dropped, p_n, W_n, b_n, p_e, W_e, b_e):
    # NodeFeaturePrompting: alpha = sigmoid(x @ W_n + b_n); x_p = x + alpha * p_n
    alpha = jax.nn.sigmoid(x @ W_n + b_n)
    x_p = x + alpha[:, None] * p_n[None, :]
    x_node = jnp.concatenate([x_node_masked, x_p], axis=-1)

    # EdgeStructurePrompting on original edges:
    src = edge_index_orig[0]
    dst = edge_index_orig[1]
    pair = jnp.concatenate([jnp.take(x, src, axis=0), jnp.take(x, dst, axis=0)], axis=-1)
    beta = jax.nn.sigmoid(pair @ W_e + b_e)
    edge_weight = jnp.ones((edge_index_orig.shape[1],), dtype=x.dtype)  # unweighted graph
    w_p = edge_weight * (1.0 + beta * p_e)

    ew_drop = jnp.ones((edge_index_dropped.shape[1],), dtype=x.dtype)
    edge_index_edge = jnp.concatenate([edge_index_dropped, edge_index_orig], axis=1)
    edge_weight_edge = jnp.concatenate([ew_drop, w_p], axis=0)
    x_edge = jnp.concatenate([x, x], axis=-1)

    return (x_node, x_edge, edge_weight_edge, alpha, beta, edge_index_edge)

if __name__ == "__main__":
    import jax
    _d = setup_inputs()
    print(jax.jit(kernel)(*tuple(_d.values())))

</pallas_src>

<mosaic_0001>
#map = affine_map<(d0, d1) -> (0)>
#map1 = affine_map<(d0, d1) -> (0, 0)>
module attributes {stable_mosaic.version = 14 : i64} {
  func.func @sc_kernel(%arg0: i32, %arg1: i32, %arg2: memref<10240xf32, #tpu.memory_space<hbm>>, %arg3: memref<10240xf32, #tpu.memory_space<hbm>>, %arg4: memref<2x320000xi32, #tpu.memory_space<hbm>>, %arg5: memref<16xf32, #tpu.memory_space<hbm>>, %arg6: memref<320000xf32, #tpu.memory_space<hbm>>, %arg7: memref<480000xf32, #tpu.memory_space<hbm>>, %arg8: memref<10240xf32, #tpu.memory_space<vmem>>, %arg9: memref<10240xf32, #tpu.memory_space<vmem>>, %arg10: memref<2x10112xi32, #tpu.memory_space<vmem>>, %arg11: memref<10112xf32, #tpu.memory_space<vmem>>, %arg12: memref<10112xf32, #tpu.memory_space<vmem>>, %arg13: memref<16xf32, #tpu.memory_space<vmem>>, %arg14: memref<5008xf32, #tpu.memory_space<vmem>>) attributes {dimension_semantics = [#tpu.dimension_semantics<core_parallel>, #tpu.dimension_semantics<subcore_parallel>], iteration_bounds = array<i64: 2, 16>, scalar_prefetch = 0 : i64, scratch_operands = 7 : i64, tpu.core_type = #tpu.core_type<sc_vector_subcore>, window_params = [{transform_indices = #map}, {transform_indices = #map}, {transform_indices = #map1}, {transform_indices = #map}, {transform_indices = #map}, {transform_indices = #map}]} {
    %mul3A = arith.constant 2 : i32
    %mul3A_0 = arith.muli %arg1, %mul3A : i32
    %add3A = arith.addi %mul3A_0, %arg0 : i32
    %mul3A_1 = arith.constant 9984 : i32
    %mul3A_2 = arith.muli %add3A, %mul3A_1 : i32
    %mul3A_3 = arith.constant 5000 : i32
    %mul3A_4 = arith.muli %add3A, %mul3A_3 : i32
    "tpu.region"() ({
      %run_scoped3A = tpu.sem_alloc : memref<!tpu.dma_semaphore, #tpu.memory_space<semaphore_mem>>
      tpu.enqueue_dma source(%arg2 : memref<10240xf32, #tpu.memory_space<hbm>>) target(%arg8 : memref<10240xf32, #tpu.memory_space<vmem>>) target_semaphore(%run_scoped3A : memref<!tpu.dma_semaphore, #tpu.memory_space<semaphore_mem>>)
      tpu.wait_dma2 semaphore(%run_scoped3A : memref<!tpu.dma_semaphore, #tpu.memory_space<semaphore_mem>>) src(%arg2 : memref<10240xf32, #tpu.memory_space<hbm>>) dst(%arg8 : memref<10240xf32, #tpu.memory_space<vmem>>)
      tpu.yield
    }) : () -> ()
    "tpu.region"() ({
      %run_scoped3A = tpu.sem_alloc : memref<!tpu.dma_semaphore, #tpu.memory_space<semaphore_mem>>
      tpu.enqueue_dma source(%arg3 : memref<10240xf32, #tpu.memory_space<hbm>>) target(%arg9 : memref<10240xf32, #tpu.memory_space<vmem>>) target_semaphore(%run_scoped3A : memref<!tpu.dma_semaphore, #tpu.memory_space<semaphore_mem>>)
      tpu.wait_dma2 semaphore(%run_scoped3A : memref<!tpu.dma_semaphore, #tpu.memory_space<semaphore_mem>>) src(%arg3 : memref<10240xf32, #tpu.memory_space<hbm>>) dst(%arg9 : memref<10240xf32, #tpu.memory_space<vmem>>)
      tpu.yield
    }) : () -> ()
    "tpu.region"() ({
      %run_scoped3A = tpu.sem_alloc : memref<!tpu.dma_semaphore, #tpu.memory_space<semaphore_mem>>
      %dma_start3A = arith.constant 0 : i32
      %dma_start3A_88 = arith.constant 0 : i32
      %dma_start3A_89 = tpu.memref_slice %arg10[%dma_start3A, %dma_start3A_88] : memref<2x10112xi32, #tpu.memory_space<vmem>> -> memref<2x9984xi32, #tpu.memory_space<vmem>>
      %dma_start3A_90 = arith.constant 0 : i32
      %dma_start3A_91 = tpu.memref_slice %arg4[%dma_start3A_90, %mul3A_2] : memref<2x320000xi32, #tpu.memory_space<hbm>> -> memref<2x9984xi32, #tpu.memory_space<hbm>>
      %dma_start3A_92 = arith.constant 0 : i32
      %dma_start3A_93 = arith.constant 0 : i32
      %dma_start3A_94 = tpu.memref_slice %arg10[%dma_start3A_92, %dma_start3A_93] : memref<2x10112xi32, #tpu.memory_space<vmem>> -> memref<2x9984xi32, #tpu.memory_space<vmem>>
      %dma_start3A_95 = arith.constant 0 : i32
      %dma_start3A_96 = tpu.memref_slice %arg4[%dma_start3A_95, %mul3A_2] : memref<2x320000xi32, #tpu.memory_space<hbm>> -> memref<2x9984xi32, #tpu.memory_space<hbm>>
      tpu.enqueue_dma source(%dma_start3A_96 : memref<2x9984xi32, #tpu.memory_space<hbm>>) target(%dma_start3A_94 : memref<2x9984xi32, #tpu.memory_space<vmem>>) target_semaphore(%run_scoped3A : memref<!tpu.dma_semaphore, #tpu.memory_space<semaphore_mem>>)
      %dma_wait3A = arith.constant 0 : i32
      %dma_wait3A_97 = arith.constant 0 : i32
      %dma_wait3A_98 = tpu.memref_slice %arg10[%dma_wait3A, %dma_wait3A_97] : memref<2x10112xi32, #tpu.memory_space<vmem>> -> memref<2x9984xi32, #tpu.memory_space<vmem>>
      %dma_wait3A_99 = arith.constant 0 : i32
      %dma_wait3A_100 = tpu.memref_slice %arg4[%dma_wait3A_99, %mul3A_2] : memref<2x320000xi32, #tpu.memory_space<hbm>> -> memref<2x9984xi32, #tpu.memory_space<hbm>>
      %dma_wait3A_101 = arith.constant 0 : i32
      %dma_wait3A_102 = arith.constant 0 : i32
      %dma_wait3A_103 = tpu.memref_slice %arg10[%dma_wait3A_101, %dma_wait3A_102] : memref<2x10112xi32, #tpu.memory_space<vmem>> -> memref<2x9984xi32, #tpu.memory_space<vmem>>
      %dma_wait3A_104 = arith.constant 0 : i32
      %dma_wait3A_105 = tpu.memref_slice %arg4[%dma_wait3A_104, %mul3A_2] : memref<2x320000xi32, #tpu.memory_space<hbm>> -> memref<2x9984xi32, #tpu.memory_space<hbm>>
      tpu.wait_dma2 semaphore(%run_scoped3A : memref<!tpu.dma_semaphore, #tpu.memory_space<semaphore_mem>>) src(%dma_wait3A_105 : memref<2x9984xi32, #tpu.memory_space<hbm>>) dst(%dma_wait3A_103 : memref<2x9984xi32, #tpu.memory_space<vmem>>)
      tpu.yield
    }) : () -> ()
    %broadcast_in_dim3A = arith.constant 0 : i32
    %broadcast_in_dim3A_5 = vector.broadcast %broadcast_in_dim3A : i32 to vector<16xi32>
    %swap3A = arith.constant 0 : i32
    %swap3A_6 = arith.index_cast %swap3A : i32 to index
    %swap3A_7 = arith.constant 9984 : index
    %swap3A_8 = tpu.vector_load %arg10[%swap3A_6, %swap3A_7] {strides = array<i32>} : memref<2x10112xi32, #tpu.memory_space<vmem>>, vector<16xi32>,
    tpu.vector_store %arg10[%swap3A_6, %swap3A_7], %broadcast_in_dim3A_5 {strides = array<i32>} : memref<2x10112xi32, #tpu.memory_space<vmem>>, vector<16xi32>,
    %swap3A_9 = arith.constant 1 : i32
    %swap3A_10 = arith.index_cast %swap3A_9 : i32 to index
    %swap3A_11 = arith.constant 9984 : index
    %swap3A_12 = tpu.vector_load %arg10[%swap3A_10, %swap3A_11] {strides = array<i32>} : memref<2x10112xi32, #tpu.memory_space<vmem>>, vector<16xi32>,
    tpu.vector_store %arg10[%swap3A_10, %swap3A_11], %broadcast_in_dim3A_5 {strides = array<i32>} : memref<2x10112xi32, #tpu.memory_space<vmem>>, vector<16xi32>,
    %swap3A_13 = arith.constant 0 : i32
    %swap3A_14 = arith.index_cast %swap3A_13 : i32 to index
    %swap3A_15 = arith.constant 10000 : index
    %swap3A_16 = tpu.vector_load %arg10[%swap3A_14, %swap3A_15] {strides = array<i32>} : memref<2x10112xi32, #tpu.memory_space<vmem>>, vector<16xi32>,
    tpu.vector_store %arg10[%swap3A_14, %swap3A_15], %broadcast_in_dim3A_5 {strides = array<i32>} : memref<2x10112xi32, #tpu.memory_space<vmem>>, vector<16xi32>,
    %swap3A_17 = arith.constant 1 : i32
    %swap3A_18 = arith.index_cast %swap3A_17 : i32 to index
    %swap3A_19 = arith.constant 10000 : index
    %swap3A_20 = tpu.vector_load %arg10[%swap3A_18, %swap3A_19] {strides = array<i32>} : memref<2x10112xi32, #tpu.memory_space<vmem>>, vector<16xi32>,
    tpu.vector_store %arg10[%swap3A_18, %swap3A_19], %broadcast_in_dim3A_5 {strides = array<i32>} : memref<2x10112xi32, #tpu.memory_space<vmem>>, vector<16xi32>,
    %swap3A_21 = arith.constant 0 : i32
    %swap3A_22 = arith.index_cast %swap3A_21 : i32 to index
    %swap3A_23 = arith.constant 10016 : index
    %swap3A_24 = tpu.vector_load %arg10[%swap3A_22, %swap3A_23] {strides = array<i32>} : memref<2x10112xi32, #tpu.memory_space<vmem>>, vector<16xi32>,
    tpu.vector_store %arg10[%swap3A_22, %swap3A_23], %broadcast_in_dim3A_5 {strides = array<i32>} : memref<2x10112xi32, #tpu.memory_space<vmem>>, vector<16xi32>,
    %swap3A_25 = arith.constant 1 : i32
    %swap3A_26 = arith.index_cast %swap3A_25 : i32 to index
    %swap3A_27 = arith.constant 10016 : index
    %swap3A_28 = tpu.vector_load %arg10[%swap3A_26, %swap3A_27] {strides = array<i32>} : memref<2x10112xi32, #tpu.memory_space<vmem>>, vector<16xi32>,
    tpu.vector_store %arg10[%swap3A_26, %swap3A_27], %broadcast_in_dim3A_5 {strides = array<i32>} : memref<2x10112xi32, #tpu.memory_space<vmem>>, vector<16xi32>,
    %swap3A_29 = arith.constant 0 : i32
    %swap3A_30 = arith.index_cast %swap3A_29 : i32 to index
    %swap3A_31 = arith.constant 10032 : index
    %swap3A_32 = tpu.vector_load %arg10[%swap3A_30, %swap3A_31] {strides = array<i32>} : memref<2x10112xi32, #tpu.memory_space<vmem>>, vector<16xi32>,
    tpu.vector_store %arg10[%swap3A_30, %swap3A_31], %broadcast_in_dim3A_5 {strides = array<i32>} : memref<2x10112xi32, #tpu.memory_space<vmem>>, vector<16xi32>,
    %swap3A_33 = arith.constant 1 : i32
    %swap3A_34 = arith.index_cast %swap3A_33 : i32 to index
    %swap3A_35 = arith.constant 10032 : index
    %swap3A_36 = tpu.vector_load %arg10[%swap3A_34, %swap3A_35] {strides = array<i32>} : memref<2x10112xi32, #tpu.memory_space<vmem>>, vector<16xi32>,
    tpu.vector_store %arg10[%swap3A_34, %swap3A_35], %broadcast_in_dim3A_5 {strides = array<i32>} : memref<2x10112xi32, #tpu.memory_space<vmem>>, vector<16xi32>,
    %swap3A_37 = arith.constant 0 : i32
    %swap3A_38 = arith.index_cast %swap3A_37 : i32 to index
    %swap3A_39 = arith.constant 10048 : index
    %swap3A_40 = tpu.vector_load %arg10[%swap3A_38, %swap3A_39] {strides = array<i32>} : memref<2x10112xi32, #tpu.memory_space<vmem>>, vector<16xi32>,
    tpu.vector_store %arg10[%swap3A_38, %swap3A_39], %broadcast_in_dim3A_5 {strides = array<i32>} : memref<2x10112xi32, #tpu.memory_space<vmem>>, vector<16xi32>,
    %swap3A_41 = arith.constant 1 : i32
    %swap3A_42 = arith.index_cast %swap3A_41 : i32 to index
    %swap3A_43 = arith.constant 10048 : index
    %swap3A_44 = tpu.vector_load %arg10[%swap3A_42, %swap3A_43] {strides = array<i32>} : memref<2x10112xi32, #tpu.memory_space<vmem>>, vector<16xi32>,
    tpu.vector_store %arg10[%swap3A_42, %swap3A_43], %broadcast_in_dim3A_5 {strides = array<i32>} : memref<2x10112xi32, #tpu.memory_space<vmem>>, vector<16xi32>,
    %swap3A_45 = arith.constant 0 : i32
    %swap3A_46 = arith.index_cast %swap3A_45 : i32 to index
    %swap3A_47 = arith.constant 10064 : index
    %swap3A_48 = tpu.vector_load %arg10[%swap3A_46, %swap3A_47] {strides = array<i32>} : memref<2x10112xi32, #tpu.memory_space<vmem>>, vector<16xi32>,
    tpu.vector_store %arg10[%swap3A_46, %swap3A_47], %broadcast_in_dim3A_5 {strides = array<i32>} : memref<2x10112xi32, #tpu.memory_space<vmem>>, vector<16xi32>,
    %swap3A_49 = arith.constant 1 : i32
    %swap3A_50 = arith.index_cast %swap3A_49 : i32 to index
    %swap3A_51 = arith.constant 10064 : index
    %swap3A_52 = tpu.vector_load %arg10[%swap3A_50, %swap3A_51] {strides = array<i32>} : memref<2x10112xi32, #tpu.memory_space<vmem>>, vector<16xi32>,
    tpu.vector_store %arg10[%swap3A_50, %swap3A_51], %broadcast_in_dim3A_5 {strides = array<i32>} : memref<2x10112xi32, #tpu.memory_space<vmem>>, vector<16xi32>,
    %swap3A_53 = arith.constant 0 : i32
    %swap3A_54 = arith.index_cast %swap3A_53 : i32 to index
    %swap3A_55 = arith.constant 10080 : index
    %swap3A_56 = tpu.vector_load %arg10[%swap3A_54, %swap3A_55] {strides = array<i32>} : memref<2x10112xi32, #tpu.memory_space<vmem>>, vector<16xi32>,
    tpu.vector_store %arg10[%swap3A_54, %swap3A_55], %broadcast_in_dim3A_5 {strides = array<i32>} : memref<2x10112xi32, #tpu.memory_space<vmem>>, vector<16xi32>,
    %swap3A_57 = arith.constant 1 : i32
    %swap3A_58 = arith.index_cast %swap3A_57 : i32 to index
    %swap3A_59 = arith.constant 10080 : index
    %swap3A_60 = tpu.vector_load %arg10[%swap3A_58, %swap3A_59] {strides = array<i32>} : memref<2x10112xi32, #tpu.memory_space<vmem>>, vector<16xi32>,
    tpu.vector_store %arg10[%swap3A_58, %swap3A_59], %broadcast_in_dim3A_5 {strides = array<i32>} : memref<2x10112xi32, #tpu.memory_space<vmem>>, vector<16xi32>,
    %swap3A_61 = arith.constant 0 : i32
    %swap3A_62 = arith.index_cast %swap3A_61 : i32 to index
    %swap3A_63 = arith.constant 10096 : index
    %swap3A_64 = tpu.vector_load %arg10[%swap3A_62, %swap3A_63] {strides = array<i32>} : memref<2x10112xi32, #tpu.memory_space<vmem>>, vector<16xi32>,
    tpu.vector_store %arg10[%swap3A_62, %swap3A_63], %broadcast_in_dim3A_5 {strides = array<i32>} : memref<2x10112xi32, #tpu.memory_space<vmem>>, vector<16xi32>,
    %swap3A_65 = arith.constant 1 : i32
    %swap3A_66 = arith.index_cast %swap3A_65 : i32 to index
    %swap3A_67 = arith.constant 10096 : index
    %swap3A_68 = tpu.vector_load %arg10[%swap3A_66, %swap3A_67] {strides = array<i32>} : memref<2x10112xi32, #tpu.memory_space<vmem>>, vector<16xi32>,
    tpu.vector_store %arg10[%swap3A_66, %swap3A_67], %broadcast_in_dim3A_5 {strides = array<i32>} : memref<2x10112xi32, #tpu.memory_space<vmem>>, vector<16xi32>,
    %mul3A_69 = arith.constant 128 : i32
    %mul3A_70 = arith.muli %add3A, %mul3A_69 : i32
    %add3A_71 = arith.constant 319488 : i32
    %add3A_72 = arith.addi %add3A_71, %mul3A_70 : i32
    %lt3A = arith.constant 4 : i32
    %lt3A_73 = arith.cmpi slt, %add3A, %lt3A : i32
    %convert_element_type3A = arith.extui %lt3A_73 : i1 to i32
    %cond3A = arith.constant 0 : i32
    %cond3A_74 = arith.cmpi ne, %convert_element_type3A, %cond3A : i32
    scf.if %cond3A_74 {
      "tpu.region"() ({
        %run_scoped3A = tpu.sem_alloc : memref<!tpu.dma_semaphore, #tpu.memory_space<semaphore_mem>>
        %dma_start3A = arith.constant 0 : i32
        %dma_start3A_88 = arith.constant 9984 : i32
        %dma_start3A_89 = tpu.memref_slice %arg10[%dma_start3A, %dma_start3A_88] : memref<2x10112xi32, #tpu.memory_space<vmem>> -> memref<2x128xi32, #tpu.memory_space<vmem>>
        %dma_start3A_90 = arith.constant 0 : i32
        %dma_start3A_91 = tpu.memref_slice %arg4[%dma_start3A_90, %add3A_72] : memref<2x320000xi32, #tpu.memory_space<hbm>> -> memref<2x128xi32, #tpu.memory_space<hbm>>
        %dma_start3A_92 = arith.constant 0 : i32
        %dma_start3A_93 = arith.constant 9984 : i32
        %dma_start3A_94 = tpu.memref_slice %arg10[%dma_start3A_92, %dma_start3A_93] : memref<2x10112xi32, #tpu.memory_space<vmem>> -> memref<2x128xi32, #tpu.memory_space<vmem>>
        %dma_start3A_95 = arith.constant 0 : i32
        %dma_start3A_96 = tpu.memref_slice %arg4[%dma_start3A_95, %add3A_72] : memref<2x320000xi32, #tpu.memory_space<hbm>> -> memref<2x128xi32, #tpu.memory_space<hbm>>
        tpu.enqueue_dma source(%dma_start3A_96 : memref<2x128xi32, #tpu.memory_space<hbm>>) target(%dma_start3A_94 : memref<2x128xi32, #tpu.memory_space<vmem>>) target_semaphore(%run_scoped3A : memref<!tpu.dma_semaphore, #tpu.memory_space<semaphore_mem>>)
        %dma_wait3A = arith.constant 0 : i32
        %dma_wait3A_97 = arith.constant 9984 : i32
        %dma_wait3A_98 = tpu.memref_slice %arg10[%dma_wait3A, %dma_wait3A_97] : memref<2x10112xi32, #tpu.memory_space<vmem>> -> memref<2x128xi32, #tpu.memory_space<vmem>>
        %dma_wait3A_99 = arith.constant 0 : i32
        %dma_wait3A_100 = tpu.memref_slice %arg4[%dma_wait3A_99, %add3A_72] : memref<2x320000xi32, #tpu.memory_space<hbm>> -> memref<2x128xi32, #tpu.memory_space<hbm>>
        %dma_wait3A_101 = arith.constant 0 : i32
        %dma_wait3A_102 = arith.constant 9984 : i32
        %dma_wait3A_103 = tpu.memref_slice %arg10[%dma_wait3A_101, %dma_wait3A_102] : memref<2x10112xi32, #tpu.memory_space<vmem>> -> memref<2x128xi32, #tpu.memory_space<vmem>>
        %dma_wait3A_104 = arith.constant 0 : i32
        %dma_wait3A_105 = tpu.memref_slice %arg4[%dma_wait3A_104, %add3A_72] : memref<2x320000xi32, #tpu.memory_space<hbm>> -> memref<2x128xi32, #tpu.memory_space<hbm>>
        tpu.wait_dma2 semaphore(%run_scoped3A : memref<!tpu.dma_semaphore, #tpu.memory_space<semaphore_mem>>) src(%dma_wait3A_105 : memref<2x128xi32, #tpu.memory_space<hbm>>) dst(%dma_wait3A_103 : memref<2x128xi32, #tpu.memory_space<vmem>>)
        tpu.yield
      }) : () -> ()
    } else {
    }
    "tpu.region"() ({
      %run_scoped3A = tpu.sem_alloc : memref<!tpu.dma_semaphore, #tpu.memory_space<semaphore_mem>>
      tpu.enqueue_dma source(%arg5 : memref<16xf32, #tpu.memory_space<hbm>>) target(%arg13 : memref<16xf32, #tpu.memory_space<vmem>>) target_semaphore(%run_scoped3A : memref<!tpu.dma_semaphore, #tpu.memory_space<semaphore_mem>>)
      tpu.wait_dma2 semaphore(%run_scoped3A : memref<!tpu.dma_semaphore, #tpu.memory_space<semaphore_mem>>) src(%arg5 : memref<16xf32, #tpu.memory_space<hbm>>) dst(%arg13 : memref<16xf32, #tpu.memory_space<vmem>>)
      tpu.yield
    }) : () -> ()
    %get3A = arith.constant 0 : index
    %get3A_75 = tpu.vector_load %arg13[%get3A] {strides = array<i32>} : memref<16xf32, #tpu.memory_space<vmem>>, vector<16xf32>,
    %parallel_loop3A = arith.constant 0 : i32
    %parallel_loop3A_76 = arith.constant 632 : i32
    %parallel_loop3A_77 = arith.constant 1 : i32
    scf.for %parallel_loop3A_88 = %parallel_loop3A to %parallel_loop3A_76 step %parallel_loop3A_77  : i32 {
      %parallel_loop3A_89 = arith.constant 16 : i32
      %parallel_loop3A_90 = arith.muli %parallel_loop3A_88, %parallel_loop3A_89 : i32
      %parallel_loop3A_91 = arith.constant 0 : i32
      %parallel_loop3A_92 = arith.index_cast %parallel_loop3A_91 : i32 to index
      %parallel_loop3A_93 = arith.index_cast %parallel_loop3A_90 : i32 to index
      %parallel_loop3A_94 = tpu.vector_load %arg10[%parallel_loop3A_92, %parallel_loop3A_93] {strides = array<i32>} : memref<2x10112xi32, #tpu.memory_space<vmem>>, vector<16xi32>,
      %parallel_loop3A_95 = arith.constant 16 : i32
      %parallel_loop3A_96 = arith.muli %parallel_loop3A_88, %parallel_loop3A_95 : i32
      %parallel_loop3A_97 = arith.constant 1 : i32
      %parallel_loop3A_98 = arith.index_cast %parallel_loop3A_97 : i32 to index
      %parallel_loop3A_99 = arith.index_cast %parallel_loop3A_96 : i32 to index
      %parallel_loop3A_100 = tpu.vector_load %arg10[%parallel_loop3A_98, %parallel_loop3A_99] {strides = array<i32>} : memref<2x10112xi32, #tpu.memory_space<vmem>>, vector<16xi32>,
      %parallel_loop3A_101 = tpu.vector_load_idx %arg8[%parallel_loop3A_94] : memref<10240xf32, #tpu.memory_space<vmem>>[vector<16xi32>], vector<16xf32>,
      %parallel_loop3A_102 = tpu.vector_load_idx %arg9[%parallel_loop3A_100] : memref<10240xf32, #tpu.memory_space<vmem>>[vector<16xi32>], vector<16xf32>,
      %parallel_loop3A_103 = arith.addf %parallel_loop3A_101, %parallel_loop3A_102 : vector<16xf32>
      %parallel_loop3A_104 = arith.constant 0.000000e+00 : f32
      %parallel_loop3A_105 = vector.broadcast %parallel_loop3A_104 : f32 to vector<16xf32>
      %parallel_loop3A_106 = arith.subf %parallel_loop3A_105, %parallel_loop3A_103 : vector<16xf32>
      %parallel_loop3A_107 = math.exp %parallel_loop3A_106 : vector<16xf32>
      %parallel_loop3A_108 = arith.constant 1.000000e+00 : f32
      %parallel_loop3A_109 = vector.broadcast %parallel_loop3A_108 : f32 to vector<16xf32>
      %parallel_loop3A_110 = arith.addf %parallel_loop3A_109, %parallel_loop3A_107 : vector<16xf32>
      %parallel_loop3A_111 = arith.constant 1.000000e+00 : f32
      %parallel_loop3A_112 = vector.broadcast %parallel_loop3A_111 : f32 to vector<16xf32>
      %parallel_loop3A_113 = arith.divf %parallel_loop3A_112, %parallel_loop3A_110 : vector<16xf32>
      %parallel_loop3A_114 = arith.constant 16 : i32
      %parallel_loop3A_115 = arith.muli %parallel_loop3A_88, %parallel_loop3A_114 : i32
      %parallel_loop3A_116 = arith.index_cast %parallel_loop3A_115 : i32 to index
      %parallel_loop3A_117 = tpu.vector_load %arg11[%parallel_loop3A_116] {strides = array<i32>} : memref<10112xf32, #tpu.memory_space<vmem>>, vector<16xf32>,
      tpu.vector_store %arg11[%parallel_loop3A_116], %parallel_loop3A_113 {strides = array<i32>} : memref<10112xf32, #tpu.memory_space<vmem>>, vector<16xf32>,
      %parallel_loop3A_118 = arith.mulf %parallel_loop3A_113, %get3A_75 : vector<16xf32>
      %parallel_loop3A_119 = arith.constant 1.000000e+00 : f32
      %parallel_loop3A_120 = vector.broadcast %parallel_loop3A_119 : f32 to vector<16xf32>
      %parallel_loop3A_121 = arith.addf %parallel_loop3A_120, %parallel_loop3A_118 : vector<16xf32>
      %parallel_loop3A_122 = arith.constant 16 : i32
      %parallel_loop3A_123 = arith.muli %parallel_loop3A_88, %parallel_loop3A_122 : i32
      %parallel_loop3A_124 = arith.index_cast %parallel_loop3A_123 : i32 to index
      %parallel_loop3A_125 = tpu.vector_load %arg12[%parallel_loop3A_124] {strides = array<i32>} : memref<10112xf32, #tpu.memory_space<vmem>>, vector<16xf32>,
      tpu.vector_store %arg12[%parallel_loop3A_124], %parallel_loop3A_121 {strides = array<i32>} : memref<10112xf32, #tpu.memory_space<vmem>>, vector<16xf32>,
    } {sc.loop_unroll_factor = 4 : i64, sc.parallel_access}
    %parallel_loop3A_78 = arith.constant 0 : i32
    %parallel_loop3A_79 = arith.constant 313 : i32
    %parallel_loop3A_80 = arith.constant 1 : i32
    scf.for %parallel_loop3A_88 = %parallel_loop3A_78 to %parallel_loop3A_79 step %parallel_loop3A_80  : i32 {
      %parallel_loop3A_89 = arith.constant 1.000000e+00 : f32
      %parallel_loop3A_90 = vector.broadcast %parallel_loop3A_89 : f32 to vector<16xf32>
      %parallel_loop3A_91 = arith.constant 16 : i32
      %parallel_loop3A_92 = arith.muli %parallel_loop3A_88, %parallel_loop3A_91 : i32
      %parallel_loop3A_93 = arith.index_cast %parallel_loop3A_92 : i32 to index
      %parallel_loop3A_94 = tpu.vector_load %arg14[%parallel_loop3A_93] {strides = array<i32>} : memref<5008xf32, #tpu.memory_space<vmem>>, vector<16xf32>,
      tpu.vector_store %arg14[%parallel_loop3A_93], %parallel_loop3A_90 {strides = array<i32>} : memref<5008xf32, #tpu.memory_space<vmem>>, vector<16xf32>,
    } {sc.loop_unroll_factor = 4 : i64, sc.parallel_access}
    "tpu.region"() ({
      %run_scoped3A = tpu.sem_alloc : memref<!tpu.dma_semaphore, #tpu.memory_space<semaphore_mem>>
      %dma_start3A = arith.constant 0 : i32
      %dma_start3A_88 = tpu.memref_slice %arg11[%dma_start3A] : memref<10112xf32, #tpu.memory_space<vmem>> -> memref<9984xf32, #tpu.memory_space<vmem>>
      %dma_start3A_89 = tpu.memref_slice %arg6[%mul3A_2] : memref<320000xf32, #tpu.memory_space<hbm>> -> memref<9984xf32, #tpu.memory_space<hbm>>
      %dma_start3A_90 = tpu.memref_slice %arg6[%mul3A_2] : memref<320000xf32, #tpu.memory_space<hbm>> -> memref<9984xf32, #tpu.memory_space<hbm>>
      %dma_start3A_91 = arith.constant 0 : i32
      %dma_start3A_92 = tpu.memref_slice %arg11[%dma_start3A_91] : memref<10112xf32, #tpu.memory_space<vmem>> -> memref<9984xf32, #tpu.memory_space<vmem>>
      tpu.enqueue_dma source(%dma_start3A_92 : memref<9984xf32, #tpu.memory_space<vmem>>) target(%dma_start3A_90 : memref<9984xf32, #tpu.memory_space<hbm>>) target_semaphore(%run_scoped3A : memref<!tpu.dma_semaphore, #tpu.memory_space<semaphore_mem>>)
      %dma_wait3A = arith.constant 0 : i32
      %dma_wait3A_93 = tpu.memref_slice %arg11[%dma_wait3A] : memref<10112xf32, #tpu.memory_space<vmem>> -> memref<9984xf32, #tpu.memory_space<vmem>>
      %dma_wait3A_94 = tpu.memref_slice %arg6[%mul3A_2] : memref<320000xf32, #tpu.memory_space<hbm>> -> memref<9984xf32, #tpu.memory_space<hbm>>
      %dma_wait3A_95 = tpu.memref_slice %arg6[%mul3A_2] : memref<320000xf32, #tpu.memory_space<hbm>> -> memref<9984xf32, #tpu.memory_space<hbm>>
      %dma_wait3A_96 = arith.constant 0 : i32
      %dma_wait3A_97 = tpu.memref_slice %arg11[%dma_wait3A_96] : memref<10112xf32, #tpu.memory_space<vmem>> -> memref<9984xf32, #tpu.memory_space<vmem>>
      tpu.wait_dma2 semaphore(%run_scoped3A : memref<!tpu.dma_semaphore, #tpu.memory_space<semaphore_mem>>) src(%dma_wait3A_97 : memref<9984xf32, #tpu.memory_space<vmem>>) dst(%dma_wait3A_95 : memref<9984xf32, #tpu.memory_space<hbm>>)
      tpu.yield
    }) : () -> ()
    %add3A_81 = arith.constant 160000 : i32
    %add3A_82 = arith.addi %add3A_81, %mul3A_2 : i32
    "tpu.region"() ({
      %run_scoped3A = tpu.sem_alloc : memref<!tpu.dma_semaphore, #tpu.memory_space<semaphore_mem>>
      %dma_start3A = arith.constant 0 : i32
      %dma_start3A_88 = tpu.memref_slice %arg12[%dma_start3A] : memref<10112xf32, #tpu.memory_space<vmem>> -> memref<9984xf32, #tpu.memory_space<vmem>>
      %dma_start3A_89 = tpu.memref_slice %arg7[%add3A_82] : memref<480000xf32, #tpu.memory_space<hbm>> -> memref<9984xf32, #tpu.memory_space<hbm>>
      %dma_start3A_90 = tpu.memref_slice %arg7[%add3A_82] : memref<480000xf32, #tpu.memory_space<hbm>> -> memref<9984xf32, #tpu.memory_space<hbm>>
      %dma_start3A_91 = arith.constant 0 : i32
      %dma_start3A_92 = tpu.memref_slice %arg12[%dma_start3A_91] : memref<10112xf32, #tpu.memory_space<vmem>> -> memref<9984xf32, #tpu.memory_space<vmem>>
      tpu.enqueue_dma source(%dma_start3A_92 : memref<9984xf32, #tpu.memory_space<vmem>>) target(%dma_start3A_90 : memref<9984xf32, #tpu.memory_space<hbm>>) target_semaphore(%run_scoped3A : memref<!tpu.dma_semaphore, #tpu.memory_space<semaphore_mem>>)
      %dma_wait3A = arith.constant 0 : i32
      %dma_wait3A_93 = tpu.memref_slice %arg12[%dma_wait3A] : memref<10112xf32, #tpu.memory_space<vmem>> -> memref<9984xf32, #tpu.memory_space<vmem>>
      %dma_wait3A_94 = tpu.memref_slice %arg7[%add3A_82] : memref<480000xf32, #tpu.memory_space<hbm>> -> memref<9984xf32, #tpu.memory_space<hbm>>
      %dma_wait3A_95 = tpu.memref_slice %arg7[%add3A_82] : memref<480000xf32, #tpu.memory_space<hbm>> -> memref<9984xf32, #tpu.memory_space<hbm>>
      %dma_wait3A_96 = arith.constant 0 : i32
      %dma_wait3A_97 = tpu.memref_slice %arg12[%dma_wait3A_96] : memref<10112xf32, #tpu.memory_space<vmem>> -> memref<9984xf32, #tpu.memory_space<vmem>>
      tpu.wait_dma2 semaphore(%run_scoped3A : memref<!tpu.dma_semaphore, #tpu.memory_space<semaphore_mem>>) src(%dma_wait3A_97 : memref<9984xf32, #tpu.memory_space<vmem>>) dst(%dma_wait3A_95 : memref<9984xf32, #tpu.memory_space<hbm>>)
      tpu.yield
    }) : () -> ()
    "tpu.region"() ({
      %run_scoped3A = tpu.sem_alloc : memref<!tpu.dma_semaphore, #tpu.memory_space<semaphore_mem>>
      %dma_start3A = arith.constant 0 : i32
      %dma_start3A_88 = tpu.memref_slice %arg14[%dma_start3A] : memref<5008xf32, #tpu.memory_space<vmem>> -> memref<5000xf32, #tpu.memory_space<vmem>>
      %dma_start3A_89 = tpu.memref_slice %arg7[%mul3A_4] : memref<480000xf32, #tpu.memory_space<hbm>> -> memref<5000xf32, #tpu.memory_space<hbm>>
      %dma_start3A_90 = tpu.memref_slice %arg7[%mul3A_4] : memref<480000xf32, #tpu.memory_space<hbm>> -> memref<5000xf32, #tpu.memory_space<hbm>>
      %dma_start3A_91 = arith.constant 0 : i32
      %dma_start3A_92 = tpu.memref_slice %arg14[%dma_start3A_91] : memref<5008xf32, #tpu.memory_space<vmem>> -> memref<5000xf32, #tpu.memory_space<vmem>>
      tpu.enqueue_dma source(%dma_start3A_92 : memref<5000xf32, #tpu.memory_space<vmem>>) target(%dma_start3A_90 : memref<5000xf32, #tpu.memory_space<hbm>>) target_semaphore(%run_scoped3A : memref<!tpu.dma_semaphore, #tpu.memory_space<semaphore_mem>>)
      %dma_wait3A = arith.constant 0 : i32
      %dma_wait3A_93 = tpu.memref_slice %arg14[%dma_wait3A] : memref<5008xf32, #tpu.memory_space<vmem>> -> memref<5000xf32, #tpu.memory_space<vmem>>
      %dma_wait3A_94 = tpu.memref_slice %arg7[%mul3A_4] : memref<480000xf32, #tpu.memory_space<hbm>> -> memref<5000xf32, #tpu.memory_space<hbm>>
      %dma_wait3A_95 = tpu.memref_slice %arg7[%mul3A_4] : memref<480000xf32, #tpu.memory_space<hbm>> -> memref<5000xf32, #tpu.memory_space<hbm>>
      %dma_wait3A_96 = arith.constant 0 : i32
      %dma_wait3A_97 = tpu.memref_slice %arg14[%dma_wait3A_96] : memref<5008xf32, #tpu.memory_space<vmem>> -> memref<5000xf32, #tpu.memory_space<vmem>>
      tpu.wait_dma2 semaphore(%run_scoped3A : memref<!tpu.dma_semaphore, #tpu.memory_space<semaphore_mem>>) src(%dma_wait3A_97 : memref<5000xf32, #tpu.memory_space<vmem>>) dst(%dma_wait3A_95 : memref<5000xf32, #tpu.memory_space<hbm>>)
      tpu.yield
    }) : () -> ()
    %lt3A_83 = arith.constant 4 : i32
    %lt3A_84 = arith.cmpi slt, %add3A, %lt3A_83 : i32
    %convert_element_type3A_85 = arith.extui %lt3A_84 : i1 to i32
    %cond3A_86 = arith.constant 0 : i32
    %cond3A_87 = arith.cmpi ne, %convert_element_type3A_85, %cond3A_86 : i32
    scf.if %cond3A_87 {
      "tpu.region"() ({
        %run_scoped3A = tpu.sem_alloc : memref<!tpu.dma_semaphore, #tpu.memory_space<semaphore_mem>>
        %dma_start3A = arith.constant 9984 : i32
        %dma_start3A_90 = tpu.memref_slice %arg11[%dma_start3A] : memref<10112xf32, #tpu.memory_space<vmem>> -> memref<128xf32, #tpu.memory_space<vmem>>
        %dma_start3A_91 = tpu.memref_slice %arg6[%add3A_72] : memref<320000xf32, #tpu.memory_space<hbm>> -> memref<128xf32, #tpu.memory_space<hbm>>
        %dma_start3A_92 = tpu.memref_slice %arg6[%add3A_72] : memref<320000xf32, #tpu.memory_space<hbm>> -> memref<128xf32, #tpu.memory_space<hbm>>
        %dma_start3A_93 = arith.constant 9984 : i32
        %dma_start3A_94 = tpu.memref_slice %arg11[%dma_start3A_93] : memref<10112xf32, #tpu.memory_space<vmem>> -> memref<128xf32, #tpu.memory_space<vmem>>
        tpu.enqueue_dma source(%dma_start3A_94 : memref<128xf32, #tpu.memory_space<vmem>>) target(%dma_start3A_92 : memref<128xf32, #tpu.memory_space<hbm>>) target_semaphore(%run_scoped3A : memref<!tpu.dma_semaphore, #tpu.memory_space<semaphore_mem>>)
        %dma_wait3A = arith.constant 9984 : i32
        %dma_wait3A_95 = tpu.memref_slice %arg11[%dma_wait3A] : memref<10112xf32, #tpu.memory_space<vmem>> -> memref<128xf32, #tpu.memory_space<vmem>>
        %dma_wait3A_96 = tpu.memref_slice %arg6[%add3A_72] : memref<320000xf32, #tpu.memory_space<hbm>> -> memref<128xf32, #tpu.memory_space<hbm>>
        %dma_wait3A_97 = tpu.memref_slice %arg6[%add3A_72] : memref<320000xf32, #tpu.memory_space<hbm>> -> memref<128xf32, #tpu.memory_space<hbm>>
        %dma_wait3A_98 = arith.constant 9984 : i32
        %dma_wait3A_99 = tpu.memref_slice %arg11[%dma_wait3A_98] : memref<10112xf32, #tpu.memory_space<vmem>> -> memref<128xf32, #tpu.memory_space<vmem>>
        tpu.wait_dma2 semaphore(%run_scoped3A : memref<!tpu.dma_semaphore, #tpu.memory_space<semaphore_mem>>) src(%dma_wait3A_99 : memref<128xf32, #tpu.memory_space<vmem>>) dst(%dma_wait3A_97 : memref<128xf32, #tpu.memory_space<hbm>>)
        tpu.yield
      }) : () -> ()
      %add3A_88 = arith.constant 160000 : i32
      %add3A_89 = arith.addi %add3A_88, %add3A_72 : i32
      "tpu.region"() ({
        %run_scoped3A = tpu.sem_alloc : memref<!tpu.dma_semaphore, #tpu.memory_space<semaphore_mem>>
        %dma_start3A = arith.constant 9984 : i32
        %dma_start3A_90 = tpu.memref_slice %arg12[%dma_start3A] : memref<10112xf32, #tpu.memory_space<vmem>> -> memref<128xf32, #tpu.memory_space<vmem>>
        %dma_start3A_91 = tpu.memref_slice %arg7[%add3A_89] : memref<480000xf32, #tpu.memory_space<hbm>> -> memref<128xf32, #tpu.memory_space<hbm>>
        %dma_start3A_92 = tpu.memref_slice %arg7[%add3A_89] : memref<480000xf32, #tpu.memory_space<hbm>> -> memref<128xf32, #tpu.memory_space<hbm>>
        %dma_start3A_93 = arith.constant 9984 : i32
        %dma_start3A_94 = tpu.memref_slice %arg12[%dma_start3A_93] : memref<10112xf32, #tpu.memory_space<vmem>> -> memref<128xf32, #tpu.memory_space<vmem>>
        tpu.enqueue_dma source(%dma_start3A_94 : memref<128xf32, #tpu.memory_space<vmem>>) target(%dma_start3A_92 : memref<128xf32, #tpu.memory_space<hbm>>) target_semaphore(%run_scoped3A : memref<!tpu.dma_semaphore, #tpu.memory_space<semaphore_mem>>)
        %dma_wait3A = arith.constant 9984 : i32
        %dma_wait3A_95 = tpu.memref_slice %arg12[%dma_wait3A] : memref<10112xf32, #tpu.memory_space<vmem>> -> memref<128xf32, #tpu.memory_space<vmem>>
        %dma_wait3A_96 = tpu.memref_slice %arg7[%add3A_89] : memref<480000xf32, #tpu.memory_space<hbm>> -> memref<128xf32, #tpu.memory_space<hbm>>
        %dma_wait3A_97 = tpu.memref_slice %arg7[%add3A_89] : memref<480000xf32, #tpu.memory_space<hbm>> -> memref<128xf32, #tpu.memory_space<hbm>>
        %dma_wait3A_98 = arith.constant 9984 : i32
        %dma_wait3A_99 = tpu.memref_slice %arg12[%dma_wait3A_98] : memref<10112xf32, #tpu.memory_space<vmem>> -> memref<128xf32, #tpu.memory_space<vmem>>
        tpu.wait_dma2 semaphore(%run_scoped3A : memref<!tpu.dma_semaphore, #tpu.memory_space<semaphore_mem>>) src(%dma_wait3A_99 : memref<128xf32, #tpu.memory_space<vmem>>) dst(%dma_wait3A_97 : memref<128xf32, #tpu.memory_space<hbm>>)
        tpu.yield
      }) : () -> ()
    } else {
    }
    return
  }
}

module attributes {stable_mosaic.version = 14 : i64} {
  func.func @_concat_body(%arg0: i32, %arg1: memref<2x80000xi32, #tpu.memory_space<vmem>>, %arg2: memref<2x80000xi32, #tpu.memory_space<vmem>>, %arg3: memref<2x80000xi32, #tpu.memory_space<vmem>>) attributes {dimension_semantics = [#tpu.dimension_semantics<arbitrary>], iteration_bounds = array<i64: 6>, scalar_prefetch = 0 : i64, scratch_operands = 0 : i64, tpu.core_type = #tpu.core_type<tc>, window_params = [{transform_indices = @transform_0, window_bounds = array<i64: 2, 80000>}, {transform_indices = @transform_1, window_bounds = array<i64: 2, 80000>}, {transform_indices = @transform_2, window_bounds = array<i64: 2, 80000>}]} {
    %lt3A = arith.constant 2 : i32
    %lt3A_0 = arith.cmpi slt, %arg0, %lt3A : i32
    %convert_element_type3A = arith.extui %lt3A_0 : i1 to i32
    %cond3A = arith.constant 0 : i32
    %cond3A_1 = arith.cmpi ne, %convert_element_type3A, %cond3A : i32
    scf.if %cond3A_1 {
      %get3A = arith.constant 0 : index
      %get3A_6 = arith.constant 0 : index
      %get3A_7 = vector.load %arg1[%get3A, %get3A_6] : memref<2x80000xi32, #tpu.memory_space<vmem>>, vector<2x80000xi32>
      %swap3A = arith.constant 0 : index
      %swap3A_8 = arith.constant 0 : index
      %swap3A_9 = vector.load %arg3[%swap3A, %swap3A_8] : memref<2x80000xi32, #tpu.memory_space<vmem>>, vector<2x80000xi32>
      tpu.vector_store %arg3[%swap3A, %swap3A_8], %get3A_7 {strides = array<i32>} : memref<2x80000xi32, #tpu.memory_space<vmem>>, vector<2x80000xi32>,
    } else {
    }
    %ge3A = arith.constant 2 : i32
    %ge3A_2 = arith.cmpi sge, %arg0, %ge3A : i32
    %convert_element_type3A_3 = arith.extui %ge3A_2 : i1 to i32
    %cond3A_4 = arith.constant 0 : i32
    %cond3A_5 = arith.cmpi ne, %convert_element_type3A_3, %cond3A_4 : i32
    scf.if %cond3A_5 {
      %get3A = arith.constant 0 : index
      %get3A_6 = arith.constant 0 : index
      %get3A_7 = vector.load %arg2[%get3A, %get3A_6] : memref<2x80000xi32, #tpu.memory_space<vmem>>, vector<2x80000xi32>
      %swap3A = arith.constant 0 : index
      %swap3A_8 = arith.constant 0 : index
      %swap3A_9 = vector.load %arg3[%swap3A, %swap3A_8] : memref<2x80000xi32, #tpu.memory_space<vmem>>, vector<2x80000xi32>
      tpu.vector_store %arg3[%swap3A, %swap3A_8], %get3A_7 {strides = array<i32>} : memref<2x80000xi32, #tpu.memory_space<vmem>>, vector<2x80000xi32>,
    } else {
    }
    return
  }
  func.func @transform_0(%arg0: i32) -> (i32, i32) {
    %min3A = arith.constant 1 : i32
    %min3A_0 = arith.minsi %arg0, %min3A : i32
    %c0_i32 = arith.constant 0 : i32
    %c0_i32_1 = arith.constant 0 : i32
    return %c0_i32, %min3A_0 : i32, i32
  }
  func.func @transform_1(%arg0: i32) -> (i32, i32) {
    %sub3A = arith.constant 2 : i32
    %sub3A_0 = arith.subi %arg0, %sub3A : i32
    %jit3A = arith.constant 0 : i32
    %jit3A_1 = arith.constant 3 : i32
    %max3A = arith.maxsi %jit3A, %sub3A_0 : i32
    %min3A = arith.minsi %jit3A_1, %max3A : i32
    %c0_i32 = arith.constant 0 : i32
    %c0_i32_2 = arith.constant 0 : i32
    return %c0_i32, %min3A : i32, i32
  }
  func.func @transform_2(%arg0: i32) -> (i32, i32) {
    %c0_i32 = arith.constant 0 : i32
    %c0_i32_0 = arith.constant 0 : i32
    return %c0_i32, %arg0 : i32, i32
  }
}

module attributes {stable_mosaic.version = 14 : i64} {
  func.func @_tables_body(%arg0: i32, %arg1: memref<2048x128xf32, #tpu.memory_space<vmem>>, %arg2: memref<1x128xf32, #tpu.memory_space<vmem>>, %arg3: memref<1x128xf32, #tpu.memory_space<vmem>>, %arg4: memref<1x128xf32, #tpu.memory_space<vmem>>, %arg5: memref<1x2xf32, #tpu.memory_space<smem>>, %arg6: memref<16x128xf32, #tpu.memory_space<vmem>>, %arg7: memref<16x128xf32, #tpu.memory_space<vmem>>, %arg8: memref<16x128xf32, #tpu.memory_space<vmem>>) attributes {dimension_semantics = [#tpu.dimension_semantics<arbitrary>], iteration_bounds = array<i64: 5>, scalar_prefetch = 0 : i64, scratch_operands = 0 : i64, tpu.core_type = #tpu.core_type<tc>, window_params = [{transform_indices = @transform_0, window_bounds = array<i64: 2048, 128>}, {pipeline_mode = #tpu.pipeline_mode<synchronous>, transform_indices = @transform_1, window_bounds = array<i64: 1, 128>}, {pipeline_mode = #tpu.pipeline_mode<synchronous>, transform_indices = @transform_2, window_bounds = array<i64: 1, 128>}, {pipeline_mode = #tpu.pipeline_mode<synchronous>, transform_indices = @transform_3, window_bounds = array<i64: 1, 128>}, {transform_indices = @transform_4, window_bounds = array<i64: 1, 2>}, {transform_indices = @transform_5, window_bounds = array<i64: 16, 128>}, {transform_indices = @transform_6, window_bounds = array<i64: 16, 128>}, {transform_indices = @transform_7, window_bounds = array<i64: 16, 128>}]} {
    %get3A = arith.constant 0 : index
    %get3A_0 = arith.constant 0 : index
    %get3A_1 = vector.load %arg1[%get3A, %get3A_0] : memref<2048x128xf32, #tpu.memory_space<vmem>>, vector<2048x128xf32>
    %get3A_2 = arith.constant 0 : index
    %get3A_3 = arith.constant 0 : index
    %get3A_4 = memref.load %arg5[%get3A_2, %get3A_3] : memref<1x2xf32, #tpu.memory_space<smem>>
    %get3A_5 = arith.constant 0 : index
    %get3A_6 = arith.constant 1 : index
    %get3A_7 = memref.load %arg5[%get3A_5, %get3A_6] : memref<1x2xf32, #tpu.memory_space<smem>>
    %get3A_8 = arith.constant 0 : index
    %get3A_9 = arith.constant 0 : index
    %get3A_10 = vector.load %arg2[%get3A_8, %get3A_9] : memref<1x128xf32, #tpu.memory_space<vmem>>, vector<1x128xf32>
    %mul3A = vector.broadcast %get3A_10 : vector<1x128xf32> to vector<2048x128xf32>
    %mul3A_11 = arith.mulf %get3A_1, %mul3A : vector<2048x128xf32>
    %reduce_sum3A = arith.constant dense<0.000000e+00> : vector<2048xf32>
    %reduce_sum3A_12 = vector.multi_reduction <add>, %mul3A_11, %reduce_sum3A [1] : vector<2048x128xf32> to vector<2048xf32>
    %add3A = vector.broadcast %get3A_4 : f32 to vector<2048xf32>
    %add3A_13 = arith.addf %reduce_sum3A_12, %add3A : vector<2048xf32>
    %logistic3A = arith.negf %add3A_13 : vector<2048xf32>
    %logistic3A_14 = math.exp %logistic3A : vector<2048xf32>
    %logistic3A_15 = arith.constant 1.000000e+00 : f32
    %logistic3A_16 = vector.broadcast %logistic3A_15 : f32 to vector<2048xf32>
    %logistic3A_17 = arith.addf %logistic3A_16, %logistic3A_14 : vector<2048xf32>
    %logistic3A_18 = arith.divf %logistic3A_16, %logistic3A_17 : vector<2048xf32>
    %reshape3A = vector.shape_cast %logistic3A_18 : vector<2048xf32> to vector<16x128xf32>
    %swap3A = arith.constant 0 : index
    %swap3A_19 = arith.constant 0 : index
    %swap3A_20 = vector.load %arg8[%swap3A, %swap3A_19] : memref<16x128xf32, #tpu.memory_space<vmem>>, vector<16x128xf32>
    tpu.vector_store %arg8[%swap3A, %swap3A_19], %reshape3A {strides = array<i32>} : memref<16x128xf32, #tpu.memory_space<vmem>>, vector<16x128xf32>,
    %get3A_21 = arith.constant 0 : index
    %get3A_22 = arith.constant 0 : index
    %get3A_23 = vector.load %arg3[%get3A_21, %get3A_22] : memref<1x128xf32, #tpu.memory_space<vmem>>, vector<1x128xf32>
    %mul3A_24 = vector.broadcast %get3A_23 : vector<1x128xf32> to vector<2048x128xf32>
    %mul3A_25 = arith.mulf %get3A_1, %mul3A_24 : vector<2048x128xf32>
    %reduce_sum3A_26 = arith.constant dense<0.000000e+00> : vector<2048xf32>
    %reduce_sum3A_27 = vector.multi_reduction <add>, %mul3A_25, %reduce_sum3A_26 [1] : vector<2048x128xf32> to vector<2048xf32>
    %add3A_28 = vector.broadcast %get3A_7 : f32 to vector<2048xf32>
    %add3A_29 = arith.addf %reduce_sum3A_27, %add3A_28 : vector<2048xf32>
    %reshape3A_30 = vector.shape_cast %add3A_29 : vector<2048xf32> to vector<16x128xf32>
    %swap3A_31 = arith.constant 0 : index
    %swap3A_32 = arith.constant 0 : index
    %swap3A_33 = vector.load %arg6[%swap3A_31, %swap3A_32] : memref<16x128xf32, #tpu.memory_space<vmem>>, vector<16x128xf32>
    tpu.vector_store %arg6[%swap3A_31, %swap3A_32], %reshape3A_30 {strides = array<i32>} : memref<16x128xf32, #tpu.memory_space<vmem>>, vector<16x128xf32>,
    %get3A_34 = arith.constant 0 : index
    %get3A_35 = arith.constant 0 : index
    %get3A_36 = vector.load %arg4[%get3A_34, %get3A_35] : memref<1x128xf32, #tpu.memory_space<vmem>>, vector<1x128xf32>
    %mul3A_37 = vector.broadcast %get3A_36 : vector<1x128xf32> to vector<2048x128xf32>
    %mul3A_38 = arith.mulf %get3A_1, %mul3A_37 : vector<2048x128xf32>
    %reduce_sum3A_39 = arith.constant dense<0.000000e+00> : vector<2048xf32>
    %reduce_sum3A_40 = vector.multi_reduction <add>, %mul3A_38, %reduce_sum3A_39 [1] : vector<2048x128xf32> to vector<2048xf32>
    %reshape3A_41 = vector.shape_cast %reduce_sum3A_40 : vector<2048xf32> to vector<16x128xf32>
    %swap3A_42 = arith.constant 0 : index
    %swap3A_43 = arith.constant 0 : index
    %swap3A_44 = vector.load %arg7[%swap3A_42, %swap3A_43] : memref<16x128xf32, #tpu.memory_space<vmem>>, vector<16x128xf32>
    tpu.vector_store %arg7[%swap3A_42, %swap3A_43], %reshape3A_41 {strides = array<i32>} : memref<16x128xf32, #tpu.memory_space<vmem>>, vector<16x128xf32>,
    return
  }
  func.func @transform_0(%arg0: i32) -> (i32, i32) {
    %c0_i32 = arith.constant 0 : i32
    %c0_i32_0 = arith.constant 0 : i32
    return %arg0, %c0_i32 : i32, i32
  }
  func.func @transform_1(%arg0: i32) -> (i32, i32) {
    %c0_i32 = arith.constant 0 : i32
    %c0_i32_0 = arith.constant 0 : i32
    %c0_i32_1 = arith.constant 0 : i32
    return %c0_i32, %c0_i32_0 : i32, i32
  }
  func.func @transform_2(%arg0: i32) -> (i32, i32) {
    %c0_i32 = arith.constant 0 : i32
    %c0_i32_0 = arith.constant 0 : i32
    %c0_i32_1 = arith.constant 0 : i32
    return %c0_i32, %c0_i32_0 : i32, i32
  }
  func.func @transform_3(%arg0: i32) -> (i32, i32) {
    %c0_i32 = arith.constant 0 : i32
    %c0_i32_0 = arith.constant 0 : i32
    %c0_i32_1 = arith.constant 0 : i32
    return %c0_i32, %c0_i32_0 : i32, i32
  }
  func.func @transform_4(%arg0: i32) -> (i32, i32) {
    %c0_i32 = arith.constant 0 : i32
    %c0_i32_0 = arith.constant 0 : i32
    %c0_i32_1 = arith.constant 0 : i32
    return %c0_i32, %c0_i32_0 : i32, i32
  }
  func.func @transform_5(%arg0: i32) -> (i32, i32) {
    %c0_i32 = arith.constant 0 : i32
    %c0_i32_0 = arith.constant 0 : i32
    return %arg0, %c0_i32 : i32, i32
  }
  func.func @transform_6(%arg0: i32) -> (i32, i32) {
    %c0_i32 = arith.constant 0 : i32
    %c0_i32_0 = arith.constant 0 : i32
    return %arg0, %c0_i32 : i32, i32
  }
  func.func @transform_7(%arg0: i32) -> (i32, i32) {
    %c0_i32 = arith.constant 0 : i32
    %c0_i32_0 = arith.constant 0 : i32
    return %arg0, %c0_i32 : i32, i32
  }
}

module attributes {stable_mosaic.version = 14 : i64} {
  func.func @_dense_body(%arg0: i32, %arg1: memref<2048x128xf32, #tpu.memory_space<vmem>>, %arg2: memref<2048x128xf32, #tpu.memory_space<vmem>>, %arg3: memref<1x128xf32, #tpu.memory_space<vmem>>, %arg4: memref<1x128xf32, #tpu.memory_space<vmem>>, %arg5: memref<1x1xf32, #tpu.memory_space<smem>>, %arg6: memref<2048x256xf32, #tpu.memory_space<vmem>>, %arg7: memref<2048x256xf32, #tpu.memory_space<vmem>>) attributes {dimension_semantics = [#tpu.dimension_semantics<arbitrary>], iteration_bounds = array<i64: 5>, scalar_prefetch = 0 : i64, scratch_operands = 0 : i64, tpu.core_type = #tpu.core_type<tc>, window_params = [{transform_indices = @transform_0, window_bounds = array<i64: 2048, 128>}, {transform_indices = @transform_1, window_bounds = array<i64: 2048, 128>}, {pipeline_mode = #tpu.pipeline_mode<synchronous>, transform_indices = @transform_2, window_bounds = array<i64: 1, 128>}, {pipeline_mode = #tpu.pipeline_mode<synchronous>, transform_indices = @transform_3, window_bounds = array<i64: 1, 128>}, {transform_indices = @transform_4, window_bounds = array<i64: 1, 1>}, {transform_indices = @transform_5, window_bounds = array<i64: 2048, 256>}, {transform_indices = @transform_6, window_bounds = array<i64: 2048, 256>}]} {
    %get3A = arith.constant 0 : index
    %get3A_0 = arith.constant 0 : index
    %get3A_1 = vector.load %arg1[%get3A, %get3A_0] : memref<2048x128xf32, #tpu.memory_space<vmem>>, vector<2048x128xf32>
    %get3A_2 = arith.constant 0 : index
    %get3A_3 = arith.constant 0 : index
    %get3A_4 = memref.load %arg5[%get3A_2, %get3A_3] : memref<1x1xf32, #tpu.memory_space<smem>>
    %get3A_5 = arith.constant 0 : index
    %get3A_6 = arith.constant 0 : index
    %get3A_7 = vector.load %arg3[%get3A_5, %get3A_6] : memref<1x128xf32, #tpu.memory_space<vmem>>, vector<1x128xf32>
    %mul3A = vector.broadcast %get3A_7 : vector<1x128xf32> to vector<2048x128xf32>
    %mul3A_8 = arith.mulf %get3A_1, %mul3A : vector<2048x128xf32>
    %reduce_sum3A = arith.constant dense<0.000000e+00> : vector<2048xf32>
    %reduce_sum3A_9 = vector.multi_reduction <add>, %mul3A_8, %reduce_sum3A [1] : vector<2048x128xf32> to vector<2048xf32>
    %broadcast_in_dim3A = vector.shape_cast %reduce_sum3A_9 : vector<2048xf32> to vector<2048x1xf32>
    %add3A = vector.broadcast %get3A_4 : f32 to vector<2048x1xf32>
    %add3A_10 = arith.addf %broadcast_in_dim3A, %add3A : vector<2048x1xf32>
    %logistic3A = arith.negf %add3A_10 : vector<2048x1xf32>
    %logistic3A_11 = math.exp %logistic3A : vector<2048x1xf32>
    %logistic3A_12 = arith.constant 1.000000e+00 : f32
    %logistic3A_13 = vector.broadcast %logistic3A_12 : f32 to vector<2048x1xf32>
    %logistic3A_14 = arith.addf %logistic3A_13, %logistic3A_11 : vector<2048x1xf32>
    %logistic3A_15 = arith.divf %logistic3A_13, %logistic3A_14 : vector<2048x1xf32>
    %get3A_16 = arith.constant 0 : index
    %get3A_17 = arith.constant 0 : index
    %get3A_18 = vector.load %arg2[%get3A_16, %get3A_17] : memref<2048x128xf32, #tpu.memory_space<vmem>>, vector<2048x128xf32>
    %swap3A = arith.constant 0 : index
    %swap3A_19 = arith.constant 0 : index
    %swap3A_20 = vector.load %arg6[%swap3A, %swap3A_19] : memref<2048x256xf32, #tpu.memory_space<vmem>>, vector<2048x128xf32>
    tpu.vector_store %arg6[%swap3A, %swap3A_19], %get3A_18 {strides = array<i32>} : memref<2048x256xf32, #tpu.memory_space<vmem>>, vector<2048x128xf32>,
    %get3A_21 = arith.constant 0 : index
    %get3A_22 = arith.constant 0 : index
    %get3A_23 = vector.load %arg4[%get3A_21, %get3A_22] : memref<1x128xf32, #tpu.memory_space<vmem>>, vector<1x128xf32>
    %mul3A_24 = vector.broadcast %logistic3A_15 : vector<2048x1xf32> to vector<2048x128xf32>
    %mul3A_25 = vector.broadcast %get3A_23 : vector<1x128xf32> to vector<2048x128xf32>
    %mul3A_26 = arith.mulf %mul3A_24, %mul3A_25 : vector<2048x128xf32>
    %add3A_27 = arith.addf %get3A_1, %mul3A_26 : vector<2048x128xf32>
    %swap3A_28 = arith.constant 0 : index
    %swap3A_29 = arith.constant 128 : index
    %swap3A_30 = vector.load %arg6[%swap3A_28, %swap3A_29] : memref<2048x256xf32, #tpu.memory_space<vmem>>, vector<2048x128xf32>
    tpu.vector_store %arg6[%swap3A_28, %swap3A_29], %add3A_27 {strides = array<i32>} : memref<2048x256xf32, #tpu.memory_space<vmem>>, vector<2048x128xf32>,
    %swap3A_31 = arith.constant 0 : index
    %swap3A_32 = arith.constant 0 : index
    %swap3A_33 = vector.load %arg7[%swap3A_31, %swap3A_32] : memref<2048x256xf32, #tpu.memory_space<vmem>>, vector<2048x128xf32>
    tpu.vector_store %arg7[%swap3A_31, %swap3A_32], %get3A_1 {strides = array<i32>} : memref<2048x256xf32, #tpu.memory_space<vmem>>, vector<2048x128xf32>,
    %swap3A_34 = arith.constant 0 : index
    %swap3A_35 = arith.constant 128 : index
    %swap3A_36 = vector.load %arg7[%swap3A_34, %swap3A_35] : memref<2048x256xf32, #tpu.memory_space<vmem>>, vector<2048x128xf32>
    tpu.vector_store %arg7[%swap3A_34, %swap3A_35], %get3A_1 {strides = array<i32>} : memref<2048x256xf32, #tpu.memory_space<vmem>>, vector<2048x128xf32>,
    return
  }
  func.func @transform_0(%arg0: i32) -> (i32, i32) {
    %c0_i32 = arith.constant 0 : i32
    %c0_i32_0 = arith.constant 0 : i32
    return %arg0, %c0_i32 : i32, i32
  }
  func.func @transform_1(%arg0: i32) -> (i32, i32) {
    %c0_i32 = arith.constant 0 : i32
    %c0_i32_0 = arith.constant 0 : i32
    return %arg0, %c0_i32 : i32, i32
  }
  func.func @transform_2(%arg0: i32) -> (i32, i32) {
    %c0_i32 = arith.constant 0 : i32
    %c0_i32_0 = arith.constant 0 : i32
    %c0_i32_1 = arith.constant 0 : i32
    return %c0_i32, %c0_i32_0 : i32, i32
  }
  func.func @transform_3(%arg0: i32) -> (i32, i32) {
    %c0_i32 = arith.constant 0 : i32
    %c0_i32_0 = arith.constant 0 : i32
    %c0_i32_1 = arith.constant 0 : i32
    return %c0_i32, %c0_i32_0 : i32, i32
  }
  func.func @transform_4(%arg0: i32) -> (i32, i32) {
    %c0_i32 = arith.constant 0 : i32
    %c0_i32_0 = arith.constant 0 : i32
    %c0_i32_1 = arith.constant 0 : i32
    return %c0_i32, %c0_i32_0 : i32, i32
  }
  func.func @transform_5(%arg0: i32) -> (i32, i32) {
    %c0_i32 = arith.constant 0 : i32
    %c0_i32_0 = arith.constant 0 : i32
    return %arg0, %c0_i32 : i32, i32
  }
  func.func @transform_6(%arg0: i32) -> (i32, i32) {
    %c0_i32 = arith.constant 0 : i32
    %c0_i32_0 = arith.constant 0 : i32
    return %arg0, %c0_i32 : i32, i32
  }
}

</mosaic_0001>

<sc_bundles>
// kernel: kernel.6.cloned.1.call-start
scs
__scs_entry_jumppad:
0x0: {  	(pc) =	sbr.rel $0x88, $3  }
0x1: {  	(tag) =	ssettag $0x0;
	lr =	simm.s32 $0x1  }
0x2: {  	[smem:$0x3F97] =	sst lr;
	_ =	strace $0xD0000000  }
0x3: {  	_ = 	snop  }
0x4: {  	_ = 	snop  }
0x5: {  	_ = 	snop  }
0x6: {  	_ = 	snop  }
0x7: {  	_ = 	snop  }
__scs_overlays_trampoline_lowered:
0x8: {  	[smem:$0x3FA6] =	sst s0  }
0x9: {  	[smem:$0x3FA7] =	sst s1  }
0xa: {  	[smem:$0x3FA8] =	sst s2  }
0xb: {  	[smem:$0x3FA9] =	sst s3  }
0xc: {  	[smem:$0x3FAA] =	sst s4  }
0xd: {  	[smem:$0x3FAB] =	sst s5  }
0xe: {  	[smem:$0x3FAC] =	sst s6  }
0xf: {  	[smem:$0x3FAD] =	sst s7  }
0x10: {  	[smem:$0x3FAE] =	sst s8  }
0x11: {  	[smem:$0x3FAF] =	sst s9;
	s0 =	simm.s32 @!p0 $0x0  }
0x12: {  	s1 =	sld [smem:$0x3F95];
	s0 =	simm.s32 @p0 $0x1  }
0x13: {  	[smem:$0x3FB0] =	sst s0;
	s0 =	simm.s32 @!p1 $0x0  }
0x14: {  	s2 =	sld [smem:$0x3F94];
	s0 =	simm.s32 @p1 $0x1  }
0x15: {  	[smem:$0x3FB1] =	sst s0;
	s0 =	simm.s32 @!p2 $0x0  }
0x16: {  	s3 =	sld [smem:$0x3FDB];
	s0 =	simm.s32 @p2 $0x1  }
0x17: {  	s4 =	simm.s32 $0x1BF5;
	[smem:$0x3FB3] =	sst s0  }
0x18: {  	s0 =	sld [smem:$0x3F96];
	_ =	swait.ge [sflag:s4], $0x0  }
0x19: {  	s7 =	sld [smem:$0x3F97]  }
0x1a: {  	s8 =	sadd.s32 $0xFFFFE003, lr  }
0x1b: {  	s9 =	sadd.s32 $0xFFFFFEF7, lr;
	s5 =	simm.s32 $0xFFFFFFFF;
	p2 =	slt.u32 s8, $0xFFFFF086  }
0x1c: {  	p1 =	slt.u32 s9, $0xF7A;
	s5 =	simm.s32 @!p2 $0x0  }
0x1d: {  	s5 =	simm.s32 @p1 $0x1;
	p0 =	seq.s32 s7, s2  }
0x1e: {  	s7 =	smul.u32 @!p0 $0xF7A, s2;
	p2 =	seq.s32 @!p0 s5, $0x0  }
0x1f: {  	s9 =	smul.u32 $0xF7A, s1;
	s8 =	simm.s32 @!p0 $0x1BF5;
	p2 =	por !p2, p0  }
0x20: {  	[sflag:s8] =	ssyncset.s32 @!p0 $0xFFFFF086;
	s6 =	sadd.s32 @!p0 s3, s7;
	s7 =	simm.s32 @!p0 $0x108  }
0x21: {  	s3 =	sadd.s32 s3, s9;
	s6 =	sadd.s32 @!p0 $0x88, s6;
	s7 =	simm.s32 @p2 $0x1082  }
0x22: {  	[simem:s7], [sflag:s8] =	dma.local @!p0 [hbm:s6], $0xF7A  }
0x23: {  	s9 =	sor.u32 $0xD0000000, s2;
	s6 =	simm.s32 $0x108;
	_ =	swait.ge @!p0 [sflag:s8], $0x0  }
0x24: {  	s3 =	sadd.s32 $0x88, s3;
	s6 =	simm.s32 @!p1 $0x1082;
	[sflag:s4] =	ssyncset.s32 $0xFFFFF086  }
0x25: {  	[simem:s6], [sflag:s4] =	dma.local [hbm:s3], $0xF7A  }
0x26: {  	[smem:$0x3F97] =	sst s1;
	(tag) =	ssettag s2;
	_ =	strace s9  }
0x27: {  	s1 =	sld [smem:$0x3FA7]  }
0x28: {  	s2 =	sld [smem:$0x3FA8]  }
0x29: {  	s4 =	sld [smem:$0x3FAA]  }
0x2a: {  	p0 =	seq.s32 s5, $0x0;
	s5 =	sld [smem:$0x3FAB]  }
0x2b: {  	s6 =	sld [smem:$0x3FAC]  }
0x2c: {  	s7 =	sld [smem:$0x3FAD]  }
0x2d: {  	s3 =	simm.s32 $0x108;
	s8 =	sld [smem:$0x3FAE]  }
0x2e: {  	s3 =	simm.s32 @!p0 $0x1082;
	s9 =	sld [smem:$0x3FAF]  }
0x2f: {  	lr =	sadd.s32 s0, s3;
	s0 =	sld [smem:$0x3FA6]  }
0x30: {  	s3 =	sld [smem:$0x3FA9]  }
0x31: {  	[smem:$0x3FB2] =	sst s10  }
0x32: {  	s10 =	sld [smem:$0x3FB0];
	_ =	sdelay $0x3  }
0x33: {  	p0 =	seq.s32 s10, $0x1;
	s10 =	sld [smem:$0x3FB2];
	_ =	sdelay $0x3  }
0x34: {  	[smem:$0x3FB2] =	sst s10  }
0x35: {  	s10 =	sld [smem:$0x3FB1];
	_ =	sdelay $0x3  }
0x36: {  	p1 =	seq.s32 s10, $0x1;
	s10 =	sld [smem:$0x3FB2];
	_ =	sdelay $0x3  }
0x37: {  	[smem:$0x3FB2] =	sst s10  }
0x38: {  	s10 =	sld [smem:$0x3FB3]  }
0x39: {  	_ = 	snop;
	(pc) =	sbr.ind lr, $3  }
0x3a: {  	_ = 	snop  }
0x3b: {  	_ = 	snop  }
0x3c: {  	p2 =	seq.s32 s10, $0x1;
	s10 =	sld [smem:$0x3FB2]  }
0x3d: {  	_ =	shalt  }
0x3e: {  	_ =	shalt  }
0x3f: {  	_ =	shalt  }
0x40: {  	_ =	shalt  }
0x41: {  	_ =	shalt  }
0x42: {  	_ =	shalt  }
0x43: {  	_ =	shalt  }
0x44: {  	_ =	shalt  }
0x45: {  	_ =	shalt  }
0x46: {  	_ =	shalt  }
0x47: {  	_ =	shalt  }
0x48: {  	_ =	shalt  }
0x49: {  	_ =	shalt  }
0x4a: {  	_ =	shalt  }
0x4b: {  	_ =	shalt  }
0x4c: {  	_ =	shalt  }
0x4d: {  	_ =	shalt  }
0x4e: {  	_ =	shalt  }
0x4f: {  	_ =	shalt  }
0x50: {  	_ =	shalt  }
0x51: {  	_ =	shalt  }
0x52: {  	_ =	shalt  }
0x53: {  	_ =	shalt  }
0x54: {  	_ =	shalt  }
0x55: {  	_ =	shalt  }
0x56: {  	_ =	shalt  }
0x57: {  	_ =	shalt  }
0x58: {  	_ =	shalt  }
0x59: {  	_ =	shalt  }
0x5a: {  	_ =	shalt  }
0x5b: {  	_ =	shalt  }
0x5c: {  	_ =	shalt  }
0x5d: {  	_ =	shalt  }
0x5e: {  	_ =	shalt  }
0x5f: {  	_ =	shalt  }
0x60: {  	_ =	shalt  }
0x61: {  	_ =	shalt  }
0x62: {  	_ =	shalt  }
0x63: {  	_ =	shalt  }
0x64: {  	_ =	shalt  }
0x65: {  	_ =	shalt  }
0x66: {  	_ =	shalt  }
0x67: {  	_ =	shalt  }
0x68: {  	_ =	shalt  }
0x69: {  	_ =	shalt  }
0x6a: {  	_ =	shalt  }
0x6b: {  	_ =	shalt  }
0x6c: {  	_ =	shalt  }
0x6d: {  	_ =	shalt  }
0x6e: {  	_ =	shalt  }
0x6f: {  	_ =	shalt  }
0x70: {  	_ =	shalt  }
0x71: {  	_ =	shalt  }
0x72: {  	_ =	shalt  }
0x73: {  	_ =	shalt  }
0x74: {  	_ =	shalt  }
0x75: {  	_ =	shalt  }
0x76: {  	_ =	shalt  }
0x77: {  	_ =	shalt  }
0x78: {  	_ =	shalt  }
0x79: {  	_ =	shalt  }
0x7a: {  	_ =	shalt  }
0x7b: {  	_ =	shalt  }
0x7c: {  	_ =	shalt  }
0x7d: {  	_ =	shalt  }
0x7e: {  	_ =	shalt  }
0x7f: {  	_ =	shalt  }
0x80: {  	_ =	shalt  }
0x81: {  	_ =	shalt  }
0x82: {  	_ =	shalt  }
0x83: {  	_ =	shalt  }
0x84: {  	_ =	shalt  }
0x85: {  	_ =	shalt  }
0x86: {  	_ =	shalt  }
0x87: {  	_ =	shalt  }
.Lfunc_end0:
.L_simem_size_0:
called_computation_lowered:
.L_overlay_start_0:
0x88: {  	s2 =	sld [smem:$0x3FD9]  }
0x89: {  	s3 =	sld [smem:$0x3FFE];
	_ =	sdelay $0x1  }
0x8a: {  	s1 =	srdreg.scid  }
0x8b: {  	s0 =	sand.u32 $0x1, s1  }
0x8c: {  	s14 =	sshll.u32 s0, $0xA;
	s2 =	sadd.s32 s3, s2  }
0x8d: {  	s2 =	sadd.s32 s2, s14  }
0x8e: {  	[smem:$0x3FBE] =	sst s2  }
0x8f: {  	_ = 	snop  }
0x90: {  	s2 =	sld [smem:$0x3FD0];
	_ =	sdelay $0x2  }
0x91: {  	s4 =	simm.s32 $0xA;
	s5 =	simm.s32 $0x10;
	s15 =	sld [smem:$0x3FC7]  }
0x92: {  	[smem:s5], [sflag:s4] =	dma.local [hbm:s2], $0x1  }
0x93: {  	_ =	swait.eq [sflag:s4], $0x1  }
0x94: {  	[sflag:s4] =	ssyncset.done $0x0  }
0x95: {  	s16 =	sld [smem:$0x12];
	[sflag:s4] =	ssyncadd.s32 $0xFFFFFFFF  }
0x96: {  	s17 =	sld [smem:$0x14];
	(tm) =	ssettm $0x1  }
0x97: {  	s18 =	sld [smem:$0x3FFB];
	_ =	sdelay $0x3  }
0x98: {  	_ =	strace s18  }
0x99: {  	s5 =	sld [smem:$0x3FFC];
	_ =	sdelay $0x3  }
0x9a: {  	_ =	strace s5  }
0x9b: {  	s5 =	sld [smem:$0x3FFD];
	_ =	sdelay $0x3  }
0x9c: {  	_ =	strace s5  }
0x9d: {  	_ =	strace $0x8FFFFFFF  }
0x9e: {  	s19 =	sld [smem:$0x3FDB];
	_ =	sdelay $0x1  }
0x9f: {  	s6 =	simm.s32 $_scs_section_size  }
0xa0: {  	s7 =	simm.s32 $_size__tile_overlayer_lowered;
	s8 =	simm.s32 $_tile_overlayer_lowered  }
0xa1: {  	s22 =	simm.s32 $0x1BFF;
	s21 =	sshll.u32 s8, $0x1;
	s5 =	sadd.s32 s6, s19  }
0xa2: {  	s9 =	simm.s32 $0x0;
	s20 =	sshll.u32 s7, $0x1;
	s7 =	sadd.s32 s21, s5  }
0xa3: {  	[timem:s9], [sflag:s22] =	dma.local [hbm:s7], s20  }
0xa4: {  	_ =	swait.ge [sflag:s22], s20  }
0xa5: {  	s6 =	ssub.s32 $0x0, s20;
	[sflag:s22] =	ssyncset.done $0x0  }
0xa6: {  	[sflag:s22] =	ssyncadd.s32 s6;
	_ =	sdelay $0x1  }
0xa7: {  	s23 =	simm.s32 $0x1B8B  }
0xa8: {  	_ =	swait.ge [sflag:s23], $0x1  }
0xa9: {  	[sflag:s23] =	ssyncset.done $0x0  }
0xaa: {  	s25 =	simm.s32 $0x1B8E;
	s24 =	sld [smem:$0x3FFE];
	[sflag:s23] =	ssyncadd.s32 $0xFFFFFFFF  }
0xab: {  	s26 =	simm.s32 $execute0_lowered;
	[smem:$0x3FD2] =	sst s25  }
0xac: {  	s7 =	sshll.u32 s26, $0x1;
	_ =	strace $0x80000046;
	[dreg:$0x1] =	wrdreg $0xFFFFFFFF  }
0xad: {  	s28 =	simm.s32 $_size_execute0_lowered;
	s5 =	sadd.s32 s5, s7;
	[dreg:$0x0] =	wrdreg $0x0  }
0xae: {  	s7 =	sshll.u32 s28, $0x1;
	[dreg:$0x2] =	wrdreg s5  }
0xaf: {  	[dreg:$0x3] =	wrdreg s7  }
0xb0: {  	[dreg:$0x4] =	wrdreg $0xC0  }
0xb1: {  	_ =	task [dreg:s9], $0x5FFFF  }
0xb2: {  	[dreg:$0x1] =	wrdreg $0xFFFFFFFF  }
0xb3: {  	[dreg:$0x0] =	wrdreg $0x60  }
0xb4: {  	[dreg:$0x2] =	wrdreg s24  }
0xb5: {  	[dreg:$0x3] =	wrdreg s15  }
0xb6: {  	[dreg:$0x4] =	wrdreg s17  }
0xb7: {  	[dreg:$0x5] =	wrdreg s16  }
0xb8: {  	[dreg:$0x6] =	wrdreg $0x9  }
0xb9: {  	_ =	task.clear_ibuf [dreg:s9], $0x7FFFF;
	_ =	strace $0x90000046  }
0xba: {  	s29 =	simm.s32 $0x9;
	_ =	strace $0x80000048  }
0xbb: {  	_ =	swait.ge [sflag:s29], $0x1  }
0xbc: {  	[sflag:s29] =	ssyncadd.s32 $0xFFFFFFFF  }
0xbd: {  	_ =	strace $0x90000048  }
0xbe: {  	_ =	sfence  }
0xbf: {  	s30 =	sld [smem:$0x0];
	_ =	sdelay $0x2  }
0xc0: {  	s31 =	sshll.u32 s1, $0xD;
	s1 =	sshrl.u32 s1, $0x2  }
0xc1: {  	s3 =	sand.u32 $0x4000, s31;
	s1 =	sadd.s32 s1, s30  }
0xc2: {  	s0 =	sor.u32 s3, s0;
	s1 =	sshll.u32 s1, $0x11  }
0xc3: {  	s0 =	sor.u32 s1, s0  }
0xc4: {  	s0 =	sadd.s32 $0x8F2B, s0  }
0xc5: {  	[sflag:s0] =	ssyncadd.remote.s32 $0x1  }
0xc6: {  	_ =	sfence.sel $0xFFFF  }
0xc7: {  	[dreg:$0x0] =	wrdreg $0xFFFFFFFF;
	(pc) =	sbr.abs _section_cstart, $3  }
0xc8: {  	[dreg:$0x1] =	wrdreg $0xFFFFFFFF  }
0xc9: {  	_ =	task.clear_ibuf [dreg:s9], $0x2FFFF;
	_ =	strace $0x9FFFFFFF  }
0xca: {  	(tm) =	ssettm $0x7FFFFFFF  }
0xcb: {  	_ =	shalt  }
tec
execute0_lowered:
.L_overlay_start_1:
0x0: {  	(tag) =	ssettag $0x1  }
0x1: {  	s0 =	rddreg [dreg:$0x0]  }
0x2: {  	s1 =	rddreg [dreg:$0x1]  }
0x3: {  	s3 =	rddreg [dreg:$0x2]  }
0x4: {  	s4 =	rddreg [dreg:$0x3];
	s2 =	simm.s32 $0x0;
	s5 =	srdreg.scid  }
0x5: {  	s11 =	stileid.u32;
	s14 =	simm.s32 $0x1;
	s15 =	simm.s32 $0x2800  }
0x6: {  	s19 =	simm.s32 $0xC680;
	[smem:$0x7FF] =	sst s2;
	s5 =	sand.u32 $0x1, s5  }
0x7: {  	s6 =	sshll.u32 s11, $0x1;
	s7 =	sadd.s32 $0x3000, s0;
	s22 =	sadd.s32 $0x3600, s0  }
0x8: {  	_ =	strace $0x80000047;
	[dreg:$0x5] =	wrdreg s7;
	s6 =	sor.u32 s5, s6  }
0x9: {  	s0 =	sadd.s32 $0x3C00, s0;
	[dreg:$0x6] =	wrdreg s22;
	s23 =	smul.u32 $0x2700, s6  }
0xa: {  	s5 =	ssub.s32 $0x2, s5;
	[dreg:$0x7] =	wrdreg s0;
	s9 =	smul.u32 $0x9C0, s6  }
0xb: {  	s8 =	sshrl.u32 s5, $0x1;
	s10 =	sshll.u32 s6, $0x7;
	s6 =	smul.u32 $0x271, s6  }
0xc: {  	s24 =	ssub.s32 s5, s8;
	s25 =	sor.u32 $0x4E000, s10;
	s26 =	sadd.s32 s1, s9  }
0xd: {  	s31 =	sshrl.u32 s10, $0x3;
	s6 =	sadd.s32 s4, s6;
	[dreg:$0x8] =	wrdreg s26  }
0xe: {  	s28 =	sshrl.u32 s25, $0x2;
	s0 =	smax.u32 s24, $0x1;
	[dreg:$0xc] =	wrdreg s6  }
0xf: {  	s29 =	sshrl.u32 s23, $0x3;
	s1 =	sadd.s32 s1, s28;
	[dreg:$0xf] =	wrdreg s0  }
0x10: {  	s30 =	sadd.s32 s4, s29;
	s7 =	sadd.s32 s3, s29;
	[dreg:$0x9] =	wrdreg s1  }
0x11: {  	s5 =	sshrl.u32 s25, $0x3;
	[dreg:$0xa] =	wrdreg s7;
	s1 =	sadd.s32 $0x4E20, s30  }
0x12: {  	s3 =	sadd.s32 s3, s5;
	[dreg:$0xb] =	wrdreg s1;
	s1 =	sadd.s32 s4, s31  }
0x13: {  	s21 =	simm.s32 $0x0;
	[dreg:$0xd] =	wrdreg s3;
	s1 =	sadd.s32 $0xEA20, s1  }
0x14: {  	v0 =	vimm.s32 $0x0;
	v1 =	vimm.f32 $1.000000000e+00;
	p0 =	sgt.u32 s11, $0x1;
	s7 =	simm.s32 $0x9F00;
	[dreg:$0xe] =	wrdreg s1  }
.LBB2_1:
0x15: {  	s0 =	rddreg [dreg:$0x5]  }
0x16: {  	[tilespmem:s2], [sflag:$0x1] =	stream.linear.gather [hbm4b:s0+s2], $0x2800, $0x38;
	[tilespmem:$0x10280] =	vst v63  }
0x17: {  	_ =	swait.ge [sflag:s14], $0x2800  }
0x18: {  	[sflag:s14] =	ssyncset.done $0x0  }
0x19: {  	s20 =	rddreg [dreg:$0x6];
	[sflag:s14] =	ssyncadd.s32 $0xFFFFD800  }
0x1a: {  	[tilespmem:s15], [sflag:$0x1] =	stream.linear.gather [hbm4b:s20+s2], $0x2800, $0x38;
	[tilespmem:$0x10280] =	vst v63  }
0x1b: {  	_ =	swait.ge [sflag:s14], $0x2800  }
0x1c: {  	[sflag:s14] =	ssyncset.done $0x0  }
0x1d: {  	s1 =	simm.s32 $0x5000;
	s22 =	rddreg [dreg:$0x8];
	[sflag:s14] =	ssyncadd.s32 $0xFFFFD800  }
0x1e: {  	[tilespmem:s1], [sflag:$0x1] =	stream.linear.gather [hbm4b:s22+s2], $0x4E00, $0x38;
	[tilespmem:$0x10280] =	vst v63  }
0x1f: {  	_ =	swait.ge [sflag:s14], $0x4E00  }
0x20: {  	[sflag:s14] =	ssyncset.done $0x0  }
0x21: {  	[sflag:s14] =	ssyncadd.s32 $0xFFFFB200  }
0x22: {  	[tilespmem:$0x9E00] =	vst v0  }
0x23: {  	[tilespmem:$0x9E80] =	vst v0  }
0x24: {  	[tilespmem:$0x9E10] =	vst v0  }
0x25: {  	[tilespmem:$0x9E90] =	vst v0  }
0x26: {  	[tilespmem:$0x9E20] =	vst v0  }
0x27: {  	[tilespmem:$0x9EA0] =	vst v0  }
0x28: {  	[tilespmem:$0x9E30] =	vst v0  }
0x29: {  	[tilespmem:$0x9EB0] =	vst v0  }
0x2a: {  	[tilespmem:$0x9E40] =	vst v0  }
0x2b: {  	[tilespmem:$0x9EC0] =	vst v0  }
0x2c: {  	[tilespmem:$0x9E50] =	vst v0  }
0x2d: {  	[tilespmem:$0x9ED0] =	vst v0  }
0x2e: {  	[tilespmem:$0x9E60] =	vst v0  }
0x2f: {  	[tilespmem:$0x9EE0] =	vst v0  }
0x30: {  	[tilespmem:$0x9E70] =	vst v0  }
0x31: {  	s0 =	simm.s32 @!p0 $0x0;
	s1 =	simm.s32 @!p0 $0x9E00;
	s3 =	rddreg [dreg:$0x9];
	[tilespmem:$0x9EF0] =	vst v0  }
0x32: {  	[tilespmem:s1], [sflag:$0x1] =	stream.linear.gather @!p0 [hbm4b:s3+s0], $0x100, $0x38;
	[tilespmem:$0x10280] =	vst v63  }
0x33: {  	s0 =	simm.s32 @!p0 $0x1  }
0x34: {  	_ =	swait.ge @!p0 [sflag:s0], $0x100  }
0x35: {  	[sflag:s0] =	ssyncset.done @!p0 $0x0  }
0x36: {  	s24 =	simm.s32 $0xEE00;
	s23 =	rddreg [dreg:$0x7];
	[sflag:s0] =	ssyncadd.s32 @!p0 $0xFFFFFF00  }
0x37: {  	[tilespmem:s24], [sflag:$0x1] =	stream.linear.gather [hbm4b:s23+s2], $0x80, $0x38;
	[tilespmem:$0x10280] =	vst v63  }
0x38: {  	_ =	swait.ge [sflag:s14], $0x80  }
0x39: {  	s25 =	sand.u32 $0x7F00, s2;
	s26 =	sand.u32 $0x40, s2;
	[sflag:s14] =	ssyncset.done $0x0  }
0x3a: {  	s1 =	sor.u32 $0x30, s26;
	s0 =	sadd.s32 $0x5000, s25;
	[sflag:s14] =	ssyncadd.s32 $0xFFFFFF80  }
0x3b: {  	s4 =	sor.u32 s1, s0;
	v2 =	vld [tilespmem:$0xEE00]  }
0x3c: {  	v3 =	vld [tilespmem:s4+$0x0]  }
0x3d: {  	s5 =	sor.u32 s26, s0;
	v4 =	vld [tilespmem:s4+$0x80]  }
0x3e: {  	s16 =	sor.u32 $0x10, s26;
	s3 =	sor.u32 $0x20, s26;
	v5 =	vld [tilespmem:s5+$0x0]  }
0x3f: {  	s6 =	sor.u32 s16, s0;
	s0 =	sor.u32 s3, s0;
	v6 =	vld [tilespmem:s5+$0x80]  }
0x40: {  	s8 =	simm.s32 $0x80;
	s29 =	simm.s32 $0x40;
	v9 =	vld [tilespmem:s0+$0x0]  }
0x41: {  	s9 =	sand.u32 $0x40, s29;
	v10 =	vld [tilespmem:s0+$0x80];
	s0 =	sand.u32 $0x7F00, s8  }
0x42: {  	s30 =	sor.u32 $0x30, s9;
	v7 =	vld [tilespmem:s6+$0x0];
	s0 =	sadd.s32 $0x5000, s0  }
0x43: {  	v8 =	vld [tilespmem:s6+$0x80];
	s10 =	sor.u32 s30, s0  }
0x44: {  	s6 =	sor.u32 s9, s0;
	v11 =	vld [tilespmem:s10+$0x0]  }
0x45: {  	v12 =	vld [tilespmem:s6+$0x80]  }
0x46: {  	v3 =	vld.idx.msk [tilespmem:v3+s2+$0x0], $0xffff  }
0x47: {  	v4 =	vld.idx.msk [tilespmem:v4+s15+$0x0], $0xffff  }
0x48: {  	v5 =	vld.idx.msk [tilespmem:v5+s2+$0x0], $0xffff  }
0x49: {  	v6 =	vld.idx.msk [tilespmem:v6+s15+$0x0], $0xffff  }
0x4a: {  	v7 =	vld.idx.msk [tilespmem:v7+s2+$0x0], $0xffff  }
0x4b: {  	v8 =	vld.idx.msk [tilespmem:v8+s15+$0x0], $0xffff  }
0x4c: {  	v9 =	vld.idx.msk [tilespmem:v9+s2+$0x0], $0xffff  }
0x4d: {  	v3 =	vadd.f32 v4, v3;
	v4 =	vld [tilespmem:s10+$0x80]  }
0x4e: {  	s26 =	sor.u32 $0x10, s9;
	v5 =	vadd.f32 v6, v5;
	v6 =	vld [tilespmem:s6+$0x0]  }
0x4f: {  	s28 =	sor.u32 $0x20, s9;
	s11 =	sor.u32 s26, s0;
	v10 =	vld.idx.msk [tilespmem:v10+s15+$0x0], $0xffff;
	v3 =	vsub.f32 $0.0e+00, v3  }
0x50: {  	s0 =	sor.u32 s28, s0;
	v13 =	vld [tilespmem:s11+$0x0];
	v5 =	vsub.f32 $0.0e+00, v5  }
0x51: {  	v14 =	vld [tilespmem:s0+$0x0];
	v7 =	vadd.f32 v8, v7;
	v3 =	vmul.f32 $1.442695020e+00, v3  }
0x52: {  	v8 =	vld [tilespmem:s11+$0x80];
	v5 =	vmul.f32 $1.442695020e+00, v5  }
0x53: {  	v11 =	vld.idx.msk [tilespmem:v11+s2+$0x0], $0xffff;
	v7 =	vsub.f32 $0.0e+00, v7;
	(erf) = vpow2.f32 v3  }
0x54: {  	v3 =	vld [tilespmem:s0+$0x80];
	(erf) = vpow2.f32 v5;
	v5 =	vadd.f32 v10, v9  }
0x55: {  	v7 =	vmul.f32 $1.442695020e+00, v7;
	v4 =	vld.idx.msk [tilespmem:v4+s15+$0x0], $0xffff  }
0x56: {  	v6 =	vld.idx.msk [tilespmem:v6+s2+$0x0], $0xffff;
	v5 =	vsub.f32 $0.0e+00, v5  }
0x57: {  	s12 =	simm.s32 $0x100;
	s22 =	simm.s32 $0x80;
	(erf) = vpow2.f32 v7;
	v7 =	vld.idx.msk [tilespmem:v12+s15+$0x0], $0xffff  }
0x58: {  	s13 =	sand.u32 $0x40, s22;
	s0 =	sand.u32 $0x7F00, s12;
	v9 =	vld.idx.msk [tilespmem:v13+s2+$0x0], $0xffff;
	v5 =	vmul.f32 $1.442695020e+00, v5  }
0x59: {  	s23 =	sor.u32 $0x30, s13;
	s0 =	sadd.s32 $0x5000, s0;
	v10 =	vld.idx.msk [tilespmem:v14+s2+$0x0], $0xffff  }
0x5a: {  	v8 =	vld.idx.msk [tilespmem:v8+s15+$0x0], $0xffff;
	s17 =	sor.u32 s23, s0;
	(erf) = vpow2.f32 v5  }
0x5b: {  	v12 =	vld [tilespmem:s17+$0x80];
	v4 =	vadd.f32 v4, v11  }
0x5c: {  	s18 =	sor.u32 s13, s0;
	v11 =	vld [tilespmem:s17+$0x0];
	v6 =	vadd.f32 v7, v6;
	v5 =	vpop (erf)  }
0x5d: {  	s24 =	sor.u32 $0x10, s13;
	v7 =	vld [tilespmem:s18+$0x0];
	v4 =	vsub.f32 $0.0e+00, v4;
	v5 =	vadd.f32 $1.000000000e+00, v5;
	v13 =	vpop (erf)  }
0x5e: {  	s20 =	sor.u32 s24, s0;
	v3 =	vld.idx.msk [tilespmem:v3+s15+$0x0], $0xffff;
	v13 =	vadd.f32 $1.000000000e+00, v13  }
0x5f: {  	v8 =	vadd.f32 v8, v9;
	v9 =	vld [tilespmem:s20+$0x0];
	v4 =	vmul.f32 $1.442695020e+00, v4;
	(erf) = vrcp.f32 v5  }
0x60: {  	s25 =	sor.u32 $0x20, s13;
	v6 =	vsub.f32 $0.0e+00, v6;
	v14 =	vpop (erf);
	v5 =	vld [tilespmem:s18+$0x80];
	(erf) = vrcp.f32 v13  }
0x61: {  	s0 =	sor.u32 s25, s0;
	v13 =	vadd.f32 $1.000000000e+00, v14;
	v14 =	vld [tilespmem:s20+$0x80];
	(erf) = vpow2.f32 v4  }
0x62: {  	v6 =	vmul.f32 $1.442695020e+00, v6;
	v4 =	vsub.f32 $0.0e+00, v8;
	v8 =	vld [tilespmem:s0+$0x0]  }
0x63: {  	v3 =	vadd.f32 v3, v10;
	(erf) = vrcp.f32 v13;
	v13 =	vld [tilespmem:s0+$0x80];
	v15 =	vpop (erf)  }
0x64: {  	v10 =	vld.idx.msk [tilespmem:v11+s2+$0x0], $0xffff;
	v4 =	vmul.f32 $1.442695020e+00, v4;
	(erf) = vpow2.f32 v6;
	v6 =	vadd.f32 $1.000000000e+00, v15  }
0x65: {  	v11 =	vld.idx.msk [tilespmem:v12+s15+$0x0], $0xffff  }
0x66: {  	v3 =	vsub.f32 $0.0e+00, v3;
	(erf) = vpow2.f32 v4;
	v4 =	vld.idx.msk [tilespmem:v7+s2+$0x0], $0xffff  }
0x67: {  	v7 =	vld.idx.msk [tilespmem:v9+s2+$0x0], $0xffff;
	(erf) = vrcp.f32 v6  }
0x68: {  	s8 =	simm.s32 $0x180;
	s20 =	simm.s32 $0xC0;
	v3 =	vmul.f32 $1.442695020e+00, v3;
	v5 =	vld.idx.msk [tilespmem:v5+s15+$0x0], $0xffff;
	v6 =	vpop (erf)  }
0x69: {  	s9 =	sand.u32 $0x40, s20;
	s0 =	sand.u32 $0x7F00, s8;
	v9 =	vld.idx.msk [tilespmem:v14+s15+$0x0], $0xffff;
	v12 =	vpop (erf)  }
0x6a: {  	s31 =	sor.u32 $0x30, s9;
	s10 =	sadd.s32 $0x5000, s0;
	v10 =	vadd.f32 v11, v10;
	(erf) = vpow2.f32 v3;
	v8 =	vld.idx.msk [tilespmem:v8+s2+$0x0], $0xffff;
	v14 =	vpop (erf)  }
0x6b: {  	s0 =	sor.u32 s31, s10;
	v3 =	vmul.f32 v6, v2;
	v13 =	vld.idx.msk [tilespmem:v13+s15+$0x0], $0xffff;
	v14 =	vadd.f32 $1.000000000e+00, v14  }
0x6c: {  	v16 =	vld [tilespmem:s0+$0x0];
	v10 =	vsub.f32 $0.0e+00, v10;
	v15 =	vmul.f32 v12, v2;
	v11 =	vpop (erf)  }
0x6d: {  	s11 =	sor.u32 s9, s10;
	v17 =	vld [tilespmem:s0+$0x80];
	v3 =	vadd.f32 $1.000000000e+00, v3;
	v4 =	vadd.f32 v5, v4;
	v5 =	vpop (erf);
	(erf) = vrcp.f32 v14  }
0x6e: {  	s0 =	sor.u32 $0x10, s9;
	v18 =	vld [tilespmem:s11+$0x80];
	v10 =	vmul.f32 $1.442695020e+00, v10;
	v15 =	vadd.f32 $1.000000000e+00, v15;
	v5 =	vadd.f32 $1.000000000e+00, v5  }
0x6f: {  	s17 =	sand.u32 $0x3F80, s2;
	s12 =	sor.u32 s0, s10;
	v19 =	vmul.f32 v11, v2;
	v14 =	vld [tilespmem:s11+$0x0];
	v7 =	vadd.f32 v9, v7;
	v9 =	vpop (erf);
	v20 =	vsub.f32 $0.0e+00, v4  }
0x70: {  	s13 =	sor.u32 s17, s1;
	s1 =	sor.u32 $0x20, s9;
	[tilespmem:s7+$0x0] =	vst v12;
	v4 =	vld [tilespmem:s12+$0x0];
	v12 =	vpop (erf);
	(erf) = vrcp.f32 v5;
	v9 =	vadd.f32 $1.000000000e+00, v9;
	v8 =	vadd.f32 v13, v8  }
0x71: {  	s4 =	sor.u32 s1, s10;
	[tilespmem:s13+$0xC680] =	vst v3;
	v5 =	vld [tilespmem:s12+$0x80];
	v13 =	vsub.f32 $0.0e+00, v7;
	v3 =	vmul.f32 v12, v2;
	(erf) = vpow2.f32 v10  }
0x72: {  	[tilespmem:s13+$0x9F00] =	vst v6;
	v7 =	vld [tilespmem:s4+$0x0];
	v10 =	vmul.f32 $1.442695020e+00, v20;
	(erf) = vrcp.f32 v9  }
0x73: {  	s18 =	sor.u32 s17, s16;
	v6 =	vld [tilespmem:s4+$0x80];
	v19 =	vadd.f32 $1.000000000e+00, v19;
	[tilespmem:s19+$0x0] =	vst v15;
	v15 =	vpop (erf);
	v9 =	vmul.f32 $1.442695020e+00, v13;
	v13 =	vsub.f32 $0.0e+00, v8  }
0x74: {  	[tilespmem:s18+$0x9F00] =	vst v11;
	v8 =	vld.idx.msk [tilespmem:v16+s2+$0x0], $0xffff;
	v11 =	vadd.f32 $1.000000000e+00, v15;
	(erf) = vpow2.f32 v10  }
0x75: {  	s3 =	sor.u32 s17, s3;
	[tilespmem:s18+$0xC680] =	vst v19;
	v15 =	vadd.f32 $1.000000000e+00, v3;
	v10 =	vld.idx.msk [tilespmem:v17+s15+$0x0], $0xffff;
	v13 =	vmul.f32 $1.442695020e+00, v13;
	(erf) = vpow2.f32 v9  }
0x76: {  	s5 =	simm.s32 $0xC;
	s6 =	simm.s32 $0x200;
	s16 =	simm.s32 $0x0;
	[tilespmem:s3+$0x9F00] =	vst v12;
	(erf) = vrcp.f32 v11;
	v11 =	vld.idx.msk [tilespmem:v18+s15+$0x0], $0xffff;
	v3 =	vpop (erf)  }
0x77: {  	s17 =	simm.s32 $0xC0;
	s4 =	simm.s32 $0xC680;
	[tilespmem:s3+$0xC680] =	vst v15;
	s3 =	simm.s32 $0x9F40;
	v9 =	vld.idx.msk [tilespmem:v14+s2+$0x0], $0xffff;
	(erf) = vpow2.f32 v13;
	v12 =	vmul.f32 v3, v2  }
.LBB2_2:
0x78: {  	s7 =	sand.u32 $0x7F00, s6;
	v4 =	vld.idx.msk [tilespmem:v4+s2+$0x0], $0xffff;
	s20 =	sadd.s32 $0x40, s20;
	s4 =	sadd.s32 $0x40, s4  }
0x79: {  	s29 =	sand.u32 $0x3F80, s29;
	s8 =	sand.u32 $0x40, s20;
	s7 =	sadd.s32 $0x5000, s7;
	v5 =	vld.idx.msk [tilespmem:v5+s15+$0x0], $0xffff;
	v15 =	vadd.f32 $1.000000000e+00, v12;
	v13 =	vpop (erf)  }
0x7a: {  	s5 =	sadd.s32 $0x4, s5;
	s30 =	sor.u32 s29, s30;
	s9 =	sor.u32 $0x30, s8;
	v7 =	vld.idx.msk [tilespmem:v7+s2+$0x0], $0xffff;
	v14 =	vpop (erf);
	[tilespmem:s3+$0x0] =	vst v13;
	v13 =	vmul.f32 v13, v2  }
0x7b: {  	p1 =	slt.u32 s5, $0x274;
	s10 =	sor.u32 $0x10, s8;
	v8 =	vadd.f32 v10, v8;
	s18 =	sor.u32 s9, s7;
	v6 =	vld.idx.msk [tilespmem:v6+s15+$0x0], $0xffff;
	v10 =	vadd.f32 $1.000000000e+00, v14;
	[tilespmem:s30+$0xC680] =	vst v15;
	v12 =	vpop (erf)  }
0x7c: {  	s11 =	sor.u32 s8, s7;
	s8 =	sor.u32 $0x20, s8;
	s12 =	sor.u32 s10, s7;
	v14 =	vld [tilespmem:s18+$0x0];
	v13 =	vadd.f32 $1.000000000e+00, v13;
	v15 =	vmul.f32 v12, v2;
	[tilespmem:s30+$0x9F00] =	vst v3  }
0x7d: {  	s13 =	sor.u32 s29, s28;
	s7 =	sor.u32 s8, s7;
	v9 =	vadd.f32 v11, v9;
	v8 =	vsub.f32 $0.0e+00, v8;
	v3 =	vld [tilespmem:s18+$0x80];
	v11 =	vpop (erf);
	(erf) = vrcp.f32 v10;
	s18 =	sor.u32 s29, s26  }
0x7e: {  	s29 =	smov.u32 s22;
	s22 =	smov.u32 s17;
	s17 =	smov.u32 s20;
	v16 =	vld [tilespmem:s11+$0x0];
	v18 =	vadd.f32 $1.000000000e+00, v11;
	v11 =	vpop (erf);
	[tilespmem:s4+$0x0] =	vst v13;
	v13 =	vadd.f32 $1.000000000e+00, v15  }
0x7f: {  	s30 =	smov.u32 s23;
	s23 =	smov.u32 s31;
	s31 =	smov.u32 s9;
	v9 =	vsub.f32 $0.0e+00, v9;
	v17 =	vadd.f32 v5, v4;
	v8 =	vmul.f32 $1.442695020e+00, v8;
	v15 =	vld [tilespmem:s11+$0x80];
	[tilespmem:s18+$0x9F00] =	vst v12;
	v12 =	vpop (erf)  }
0x80: {  	s26 =	smov.u32 s24;
	s24 =	smov.u32 s0;
	s0 =	smov.u32 s10;
	v11 =	vadd.f32 $1.000000000e+00, v11;
	v4 =	vld [tilespmem:s12+$0x0];
	(erf) = vrcp.f32 v18;
	v10 =	vpop (erf);
	[tilespmem:s18+$0xC680] =	vst v13;
	v13 =	vmul.f32 v12, v2  }
0x81: {  	s28 =	smov.u32 s25;
	s25 =	smov.u32 s1;
	s1 =	smov.u32 s8;
	v17 =	vsub.f32 $0.0e+00, v17;
	v18 =	vadd.f32 v6, v7;
	v5 =	vld [tilespmem:s12+$0x80];
	(erf) = vpow2.f32 v8;
	[tilespmem:s13+$0x9F00] =	vst v12  }
0x82: {  	v9 =	vmul.f32 $1.442695020e+00, v9;
	v12 =	vadd.f32 $1.000000000e+00, v10;
	v7 =	vld [tilespmem:s7+$0x0];
	(erf) = vrcp.f32 v11  }
.Ltmp0:
0x83: {  	v11 =	vmul.f32 $1.442695020e+00, v17;
	v17 =	vsub.f32 $0.0e+00, v18;
	v13 =	vadd.f32 $1.000000000e+00, v13;
	v6 =	vld [tilespmem:s7+$0x80];
	(pc) =	sbr.rel @p1 .LBB2_2-.Ltmp0, $4  }
0x84: {  	v8 =	vld.idx.msk [tilespmem:v14+s2+$0x0], $0xffff;
	(erf) = vpow2.f32 v9  }
0x85: {  	v14 =	vmul.f32 $1.442695020e+00, v17;
	v10 =	vld.idx.msk [tilespmem:v3+s15+$0x0], $0xffff;
	(erf) = vpow2.f32 v11;
	[tilespmem:s13+$0xC680] =	vst v13  }
0x86: {  	v9 =	vld.idx.msk [tilespmem:v16+s2+$0x0], $0xffff;
	(erf) = vrcp.f32 v12;
	v3 =	vpop (erf)  }
0x87: {  	s6 =	sadd.s32 $0x80, s6;
	s3 =	sadd.s32 $0x40, s3;
	v11 =	vld.idx.msk [tilespmem:v15+s15+$0x0], $0xffff;
	(erf) = vpow2.f32 v14;
	v12 =	vmul.f32 v3, v2  }
0x88: {  	_ =	sdelay $0x3  }
0x89: {  	v4 =	vld.idx.msk [tilespmem:v4+s2+$0x0], $0xffff  }
0x8a: {  	v5 =	vld.idx.msk [tilespmem:v5+s15+$0x0], $0xffff  }
0x8b: {  	v7 =	vld.idx.msk [tilespmem:v7+s2+$0x0], $0xffff  }
0x8c: {  	v6 =	vld.idx.msk [tilespmem:v6+s15+$0x0], $0xffff;
	v13 =	vpop (erf)  }
0x8d: {  	v14 =	vpop (erf);
	v8 =	vadd.f32 v10, v8  }
0x8e: {  	v31 =	vadd.f32 $1.000000000e+00, v14;
	v32 =	vpop (erf)  }
0x8f: {  	v9 =	vadd.f32 v11, v9;
	v8 =	vsub.f32 $0.0e+00, v8;
	v33 =	vpop (erf)  }
0x90: {  	v4 =	vadd.f32 v5, v4;
	(erf) = vrcp.f32 v31;
	v11 =	vadd.f32 $1.000000000e+00, v33  }
0x91: {  	v6 =	vadd.f32 v6, v7;
	v34 =	vpop (erf);
	v9 =	vsub.f32 $0.0e+00, v9;
	v8 =	vmul.f32 $1.442695020e+00, v8  }
0x92: {  	v5 =	vadd.f32 $1.000000000e+00, v34;
	v4 =	vsub.f32 $0.0e+00, v4;
	(erf) = vrcp.f32 v11  }
0x93: {  	v36 =	vpop (erf);
	v35 =	vmul.f32 $1.442695020e+00, v9;
	(erf) = vpow2.f32 v8  }
0x94: {  	v6 =	vsub.f32 $0.0e+00, v6;
	v37 =	vpop (erf);
	v4 =	vmul.f32 $1.442695020e+00, v4;
	(erf) = vrcp.f32 v5  }
0x95: {  	v5 =	vadd.f32 $1.000000000e+00, v37;
	(erf) = vpow2.f32 v35  }
0x96: {  	v6 =	vmul.f32 $1.442695020e+00, v6;
	(erf) = vpow2.f32 v4  }
0x97: {  	(erf) = vrcp.f32 v5  }
0x98: {  	(erf) = vpow2.f32 v6;
	_ =	sdelay $0x1  }
0x99: {  	s5 =	sand.u32 $0x3F80, s29;
	v38 =	vpop (erf)  }
0x9a: {  	v39 =	vadd.f32 $1.000000000e+00, v12;
	s6 =	sor.u32 s5, s30;
	v40 =	vmul.f32 v13, v2;
	[tilespmem:s3+$0x0] =	vst v13;
	v41 =	vpop (erf)  }
0x9b: {  	[tilespmem:s6+$0x9F00] =	vst v3;
	v42 =	vmul.f32 v32, v2;
	v43 =	vpop (erf)  }
0x9c: {  	s18 =	sor.u32 s5, s26;
	[tilespmem:s6+$0xC680] =	vst v39;
	v44 =	vadd.f32 $1.000000000e+00, v40;
	v45 =	vadd.f32 $1.000000000e+00, v43;
	v46 =	vpop (erf)  }
0x9d: {  	s4 =	sadd.s32 $0x40, s4;
	[tilespmem:s18+$0x9F00] =	vst v32;
	v3 =	vadd.f32 $1.000000000e+00, v42;
	v48 =	vmul.f32 v36, v2;
	v47 =	vpop (erf)  }
0x9e: {  	[tilespmem:s4+$0x0] =	vst v44;
	(erf) = vrcp.f32 v45;
	v49 =	vadd.f32 $1.000000000e+00, v47;
	v51 =	vpop (erf)  }
0x9f: {  	s5 =	sor.u32 s5, s28;
	[tilespmem:s18+$0xC680] =	vst v3;
	v3 =	vadd.f32 $1.000000000e+00, v48;
	v52 =	vpop (erf)  }
0xa0: {  	s26 =	sand.u32 $0x3F80, s22;
	[tilespmem:s5+$0x9F00] =	vst v36;
	v50 =	vmul.f32 v38, v2;
	v11 =	vadd.f32 $1.000000000e+00, v51;
	(erf) = vrcp.f32 v49;
	v54 =	vpop (erf)  }
0xa1: {  	s28 =	sor.u32 s26, s23;
	[tilespmem:s5+$0xC680] =	vst v3;
	v3 =	vmul.f32 v41, v2;
	v8 =	vadd.f32 $1.000000000e+00, v54  }
0xa2: {  	s20 =	sadd.s32 $0x40, s3;
	[tilespmem:s28+$0x9F00] =	vst v38;
	v53 =	vadd.f32 $1.000000000e+00, v50;
	(erf) = vrcp.f32 v11  }
0xa3: {  	[tilespmem:s20+$0x0] =	vst v41;
	v3 =	vadd.f32 $1.000000000e+00, v3;
	v55 =	vmul.f32 v46, v2;
	(erf) = vrcp.f32 v8  }
0xa4: {  	s4 =	sadd.s32 $0x40, s4;
	[tilespmem:s28+$0xC680] =	vst v53  }
0xa5: {  	s29 =	sor.u32 s26, s24;
	[tilespmem:s4+$0x0] =	vst v3;
	v3 =	vadd.f32 $1.000000000e+00, v55;
	v56 =	vmul.f32 v52, v2  }
0xa6: {  	[tilespmem:s29+$0x9F00] =	vst v46  }
0xa7: {  	s5 =	sor.u32 s26, s25;
	[tilespmem:s29+$0xC680] =	vst v3;
	v3 =	vadd.f32 $1.000000000e+00, v56;
	v57 =	vpop (erf)  }
0xa8: {  	s30 =	sand.u32 $0x3F80, s17;
	[tilespmem:s5+$0x9F00] =	vst v52;
	v58 =	vmul.f32 v57, v2  }
0xa9: {  	s31 =	sor.u32 s30, s31;
	[tilespmem:s5+$0xC680] =	vst v3;
	v59 =	vpop (erf)  }
0xaa: {  	s3 =	sadd.s32 $0x40, s20;
	[tilespmem:s31+$0x9F00] =	vst v57;
	v3 =	vadd.f32 $1.000000000e+00, v58;
	v60 =	vmul.f32 v59, v2  }
0xab: {  	[tilespmem:s3+$0x0] =	vst v59;
	v61 =	vpop (erf)  }
0xac: {  	s0 =	sor.u32 s30, s0;
	v62 =	vmul.f32 v61, v2;
	[tilespmem:s31+$0xC680] =	vst v3;
	v3 =	vadd.f32 $1.000000000e+00, v60;
	v63 =	vpop (erf)  }
0xad: {  	s4 =	sadd.s32 $0x40, s4;
	[tilespmem:s0+$0x9F00] =	vst v61;
	v2 =	vmul.f32 v63, v2  }
0xae: {  	s1 =	sor.u32 s30, s1;
	[tilespmem:s4+$0x0] =	vst v3;
	v3 =	vadd.f32 $1.000000000e+00, v62  }
0xaf: {  	[tilespmem:s1+$0x9F00] =	vst v63;
	v2 =	vadd.f32 $1.000000000e+00, v2  }
0xb0: {  	[tilespmem:s0+$0xC680] =	vst v3  }
0xb1: {  	s0 =	simm.s32 $0xEEA0;
	[tilespmem:s1+$0xC680] =	vst v2  }
0xb2: {  	[tilespmem:s0+$0xFFFFFFE0] =	vst v1  }
0xb3: {  	[tilespmem:s0+$0x10] =	vst v1  }
0xb4: {  	[tilespmem:s0+$0x0] =	vst v1  }
.LBB2_4:
0xb5: {  	s16 =	sadd.s32 $0x4, s16  }
0xb6: {  	[tilespmem:s0+$0xFFFFFFF0] =	vst v1;
	s0 =	sadd.s32 $0x40, s0;
	p1 =	slt.u32 s16, $0x134  }
.Ltmp1:
0xb7: {  	[tilespmem:s0+$0xFFFFFFE0] =	vst v1;
	(pc) =	sbr.rel @p1 .LBB2_4-.Ltmp1, $3  }
0xb8: {  	_ =	sdelay $0x1  }
0xb9: {  	[tilespmem:s0+$0x10] =	vst v1  }
0xba: {  	[tilespmem:s0+$0x0] =	vst v1  }
0xbb: {  	[tilespmem:s0+$0xFFFFFFF0] =	vst v1  }
0xbc: {  	s7 =	simm.s32 $0x9F00;
	[tilespmem:$0x10200] =	vst v1;
	s0 =	rddreg [dreg:$0xa]  }
0xbd: {  	[hbm4b:s0+s2] =	stream.linear.scatter [tilespmem:s7], [sflag:$0x1], $0x2700, $0x38;
	[tilespmem:$0x10280] =	vst v63  }
0xbe: {  	_ =	swait.ge [sflag:s14], $0x2700  }
0xbf: {  	[sflag:s14] =	ssyncset.done $0x0  }
0xc0: {  	s29 =	rddreg [dreg:$0xb];
	[sflag:s14] =	ssyncadd.s32 $0xFFFFD900  }
0xc1: {  	[hbm4b:s29+s2] =	stream.linear.scatter [tilespmem:s19], [sflag:$0x1], $0x2700, $0x38;
	[tilespmem:$0x10280] =	vst v63  }
0xc2: {  	_ =	swait.ge [sflag:s14], $0x2700  }
0xc3: {  	[sflag:s14] =	ssyncset.done $0x0  }
0xc4: {  	s1 =	simm.s32 $0xEE80;
	s30 =	rddreg [dreg:$0xc];
	[sflag:s14] =	ssyncadd.s32 $0xFFFFD900  }
0xc5: {  	[hbm4b:s30+s2] =	stream.linear.scatter [tilespmem:s1], [sflag:$0x1], $0x1388, $0x38;
	[tilespmem:$0x10280] =	vst v63  }
0xc6: {  	_ =	swait.ge [sflag:s14], $0x1388  }
0xc7: {  	s0 =	simm.s32 @!p0 $0x0;
	[sflag:s14] =	ssyncset.done $0x0  }
0xc8: {  	s1 =	simm.s32 @!p0 $0xC600;
	s3 =	rddreg [dreg:$0xd];
	[sflag:s14] =	ssyncadd.s32 $0xFFFFEC78  }
0xc9: {  	[hbm4b:s3+s0] =	stream.linear.scatter @!p0 [tilespmem:s1], [sflag:$0x1], $0x80, $0x38;
	[tilespmem:$0x10280] =	vst v63  }
0xca: {  	s1 =	simm.s32 @!p0 $0x1  }
0xcb: {  	_ =	swait.ge @!p0 [sflag:s1], $0x80  }
0xcc: {  	[sflag:s1] =	ssyncset.done @!p0 $0x0  }
0xcd: {  	s3 =	simm.s32 @!p0 $0xED80;
	s4 =	rddreg [dreg:$0xe];
	[sflag:s1] =	ssyncadd.s32 @!p0 $0xFFFFFF80  }
0xce: {  	[hbm4b:s4+s0] =	stream.linear.scatter @!p0 [tilespmem:s3], [sflag:$0x1], $0x80, $0x38;
	[tilespmem:$0x10280] =	vst v63  }
0xcf: {  	_ =	swait.ge @!p0 [sflag:s1], $0x80  }
0xd0: {  	s21 =	sadd.s32 $0x1, s21;
	s31 =	rddreg [dreg:$0xf]  }
0xd1: {  	p1 =	sne.s32 s21, s31  }
.Ltmp2:
0xd2: {  	_ = 	snop;
	(pc) =	sbr.rel @p1 .LBB2_1-.Ltmp2, $3  }
0xd3: {  	_ =	sdelay $0x1  }
0xd4: {  	[sflag:s1] =	ssyncset.done @!p0 $0x0  }
0xd5: {  	[sflag:s1] =	ssyncadd.s32 @!p0 $0xFFFFFF80  }
0xd6: {  	_ =	sfence.sel $0x180000  }
0xd7: {  	[bflag:$0x0] =	sbarrier.arrive $0xFFFF  }
0xd8: {  	_ =	strace $0x90000047  }
0xd9: {  	s0 =	stileid.u32;
	[bflag:$0x2] =	sbarrier.arrive $0xFFFF  }
0xda: {  	p0 =	sne.s32 s0, $0x0;
	s0 =	rddreg [dreg:$0x4]  }
0xdb: {  	s0 =	sadd.s32 @!p0 $0x100000, s0  }
0xdc: {  	[sflag:s0] =	ssyncadd.tile.s32 @!p0 $0x1;
	_ =	shalt  }
.Lfunc_end2:
_tile_overlayer_lowered:
.L_overlay_start_2:
0xdd: {  	(tag) =	ssettag $0x2  }
0xde: {  	s0 =	rddreg [dreg:$0x0];
	s2 =	stileid.u32  }
0xdf: {  	s1 =	rddreg [dreg:$0x1];
	p0 =	sne.s32 s2, $0x0  }
0xe0: {  	s3 =	rddreg [dreg:$0x2];
	[bflag:$0x3] =	sbarrier.arrive $0xFFFF;
	s2 =	simm.s32 @!p0 $0x1C01  }
0xe1: {  	[timem:s3], [sflag:s2] =	dma.local @!p0 [hbm:s0], s1  }
0xe2: {  	s0 =	simm.s32 @!p0 $0x1  }
0xe3: {  	_ =	swait.ge @!p0 [sflag:s0], s1  }
0xe4: {  	s1 =	ssub.s32 @!p0 $0x0, s1;
	[sflag:s0] =	ssyncset.done @!p0 $0x0  }
0xe5: {  	[sflag:s0] =	ssyncadd.s32 @!p0 s1  }
0xe6: {  	[bflag:$0x3] =	sbarrier.arrive $0xFFFF  }
0xe7: {  	_ =	shalt  }

</sc_bundles>
